<compile_context>
chip_gen: v7x
topology: tpu7x:2x2x1
jax: 0.10.2.dev20260603
libtpu: 0.0.44.dev20260713+nightly
codegen_flags: <defaults>
</compile_context>

<pallas_src>
import functools

import jax
import jax.numpy as jnp
from jax import lax
from jax.experimental import pallas as pl
from jax.experimental.pallas import tpu as pltpu
from jax.experimental.pallas import tpu_sc as plsc


def _transform_table(emb_table, lin_weight, blk=1000):
    v, w = emb_table.shape

    def body(emb_ref, w_ref, out_ref):
        out_ref[...] = lax.dot_general(
            emb_ref[...], w_ref[...],
            (((1,), (1,)), ((), ())),
            preferred_element_type=jnp.float32,
        )

    return pl.pallas_call(
        body,
        grid=(v // blk,),
        in_specs=[
            pl.BlockSpec((blk, w), lambda i: (i, 0)),
            pl.BlockSpec((w, w), lambda i: (0, 0)),
        ],
        out_specs=pl.BlockSpec((blk, w), lambda i: (i, 0)),
        out_shape=jax.ShapeDtypeStruct((v, w), jnp.float32),
    )(emb_table, lin_weight)


def _make_gather(v, w, ntok, nc, ns, chunk, nbuf=4):
    nw = nc * ns
    per_w = ntok // nw
    n_chunks = per_w // chunk
    lanes = 16
    mesh = plsc.VectorSubcoreMesh(core_axis_name="c", subcore_axis_name="s")

    @functools.partial(
        pl.kernel,
        out_type=(
            jax.ShapeDtypeStruct((ntok, w), jnp.float32),
            jax.ShapeDtypeStruct((nw, lanes), jnp.float32),
        ),
        mesh=mesh,
        scratch_types=(
            [pltpu.VMEM((n_chunks, chunk), jnp.int32)]
            + [pltpu.VMEM((chunk, w), jnp.float32) for _ in range(nbuf)]
            + [pltpu.VMEM((lanes,), jnp.float32)]
            + [pltpu.SemaphoreType.DMA for _ in range(2 * nbuf)]
        ),
    )
    def gather(idx_hbm, table_hbm, out_hbm, psum_hbm, idx_v, *scr):
        bufs = scr[:nbuf]
        acc_v = scr[nbuf]
        gsems = scr[nbuf + 1:nbuf + 1 + nbuf]
        osems = scr[nbuf + 1 + nbuf:]
        wid = lax.axis_index("s") * nc + lax.axis_index("c")
        base = wid * per_w
        pltpu.sync_copy(idx_hbm.at[wid], idx_v)
        acc_v[...] = jnp.zeros((lanes,), jnp.float32)
        for b in range(nbuf):
            pltpu.async_copy(table_hbm.at[idx_v.at[b]], bufs[b], gsems[b])

        def sum_buf(buf, acc):
            def row_body(r, a):
                for cpos in range(w // lanes):
                    a = a + buf[r, pl.ds(cpos * lanes, lanes)]
                return a
            return lax.fori_loop(0, chunk, row_body, acc)

        def out_slice(j):
            return out_hbm.at[pl.ds(base + j * chunk, chunk)]

        def slot(j, b, issue_next):
            pltpu.make_async_copy(table_hbm.at[idx_v.at[j]], bufs[b], gsems[b]).wait()
            pltpu.async_copy(bufs[b], out_slice(j), osems[b])
            acc_v[...] = sum_buf(bufs[b], acc_v[...])
            if issue_next:
                pltpu.make_async_copy(bufs[b], out_slice(j), osems[b]).wait()
                pltpu.async_copy(table_hbm.at[idx_v.at[j + nbuf]], bufs[b], gsems[b])

        def body(it, carry):
            j0 = it * nbuf
            for b in range(nbuf):
                slot(j0 + b, b, True)
            return carry

        lax.fori_loop(0, n_chunks // nbuf - 1, body, 0)
        for b in range(nbuf):
            j = n_chunks - nbuf + b
            slot(j, b, False)
            pltpu.make_async_copy(bufs[b], out_slice(j), osems[b]).wait()
        pltpu.sync_copy(acc_v, psum_hbm.at[wid])

    return gather


def kernel(input_ids, emb_table, lin_weight):
    b, s = input_ids.shape
    v, w = emb_table.shape
    ntok = b * s

    info = plsc.get_sparse_core_info()
    nc, ns = info.num_cores, info.num_subcores
    chunk = 128
    nw = nc * ns

    transformed = _transform_table(emb_table, lin_weight)
    idx = input_ids.reshape(nw, ntok // (nw * chunk), chunk)
    out_flat, psum = _make_gather(v, w, ntok, nc, ns, chunk)(idx, transformed)
    outputs = out_flat.reshape(b, s, w)
    loss = jnp.sum(psum) / (ntok * w)
    return outputs, loss

# --- scband reference (transcript-rebuilt; emitter-appended) ---
"""Pipeline reference for scband-sanity-checkfor-pre-training-32212254720257 (READ-ONLY COPY).

The authoritative reference and input builder live on the scoring server;
editing this copy changes nothing except your own understanding.
"""

import jax, jax.numpy as jnp
import numpy as np

VOCAB = 100000
WIDTH = 128
BATCH = 4096
SEQ = 200

def setup_inputs(seed: int = 0) -> dict:
    key = jax.random.key(seed)
    k1, k2, k3 = jax.random.split(key, 3)
    input_ids = jax.random.randint(k1, (BATCH, SEQ), 0, VOCAB, dtype=jnp.int64 if jax.config.jax_enable_x64 else jnp.int32).astype(jnp.int32)
    emb_table = jax.random.normal(k2, (VOCAB, WIDTH), dtype=jnp.float32) * 0.02
    # padding_idx=0: torch zero-initializes that row
    emb_table = emb_table.at[0].set(0.0)
    # torch Linear weight shape [out_features, in_features]
    lin_weight = jax.random.normal(k3, (WIDTH, WIDTH), dtype=jnp.float32) * (1.0 / np.sqrt(WIDTH))
    return {"input_ids": input_ids, "emb_table": emb_table, "lin_weight": lin_weight}

def reference(input_ids, emb_table, lin_weight):
    # embedding lookup (gather)
    embeds = jnp.take(emb_table, input_ids, axis=0)  # [B, S, W]
    # torch Linear (no bias): y = x @ W^T
    outputs = jnp.einsum('bsw,ow->bso', embeds, lin_weight)
    loss = jnp.mean(outputs)
    return (outputs, loss)

if __name__ == "__main__":
    import jax
    _d = setup_inputs()
    print(jax.jit(kernel)(*tuple(_d.values())))

</pallas_src>

<mosaic_0001>
#map = affine_map<(d0, d1) -> (0, 0, 0)>
#map1 = affine_map<(d0, d1) -> (0, 0)>
module attributes {stable_mosaic.version = 14 : i64} {
  func.func @gather(%arg0: i32, %arg1: i32, %arg2: memref<32x200x128xi32, #tpu.memory_space<hbm>>, %arg3: memref<100000x128xf32, #tpu.memory_space<hbm>>, %arg4: memref<819200x128xf32, #tpu.memory_space<hbm>>, %arg5: memref<32x16xf32, #tpu.memory_space<hbm>>, %arg6: memref<200x128xi32, #tpu.memory_space<vmem>>, %arg7: memref<128x128xf32, #tpu.memory_space<vmem>>, %arg8: memref<128x128xf32, #tpu.memory_space<vmem>>, %arg9: memref<128x128xf32, #tpu.memory_space<vmem>>, %arg10: memref<128x128xf32, #tpu.memory_space<vmem>>, %arg11: memref<16xf32, #tpu.memory_space<vmem>>, %arg12: memref<!tpu.dma_semaphore, #tpu.memory_space<semaphore_mem>>, %arg13: memref<!tpu.dma_semaphore, #tpu.memory_space<semaphore_mem>>, %arg14: memref<!tpu.dma_semaphore, #tpu.memory_space<semaphore_mem>>, %arg15: memref<!tpu.dma_semaphore, #tpu.memory_space<semaphore_mem>>, %arg16: memref<!tpu.dma_semaphore, #tpu.memory_space<semaphore_mem>>, %arg17: memref<!tpu.dma_semaphore, #tpu.memory_space<semaphore_mem>>, %arg18: memref<!tpu.dma_semaphore, #tpu.memory_space<semaphore_mem>>, %arg19: memref<!tpu.dma_semaphore, #tpu.memory_space<semaphore_mem>>) attributes {dimension_semantics = [#tpu.dimension_semantics<core_parallel>, #tpu.dimension_semantics<subcore_parallel>], iteration_bounds = array<i64: 2, 16>, scalar_prefetch = 0 : i64, scratch_operands = 14 : i64, tpu.core_type = #tpu.core_type<sc_vector_subcore>, window_params = [{transform_indices = #map}, {transform_indices = #map1}, {transform_indices = #map1}, {transform_indices = #map1}]} {
    %mul3A = arith.constant 2 : i32
    %mul3A_0 = arith.muli %arg1, %mul3A : i32
    %add3A = arith.addi %mul3A_0, %arg0 : i32
    %mul3A_1 = arith.constant 25600 : i32
    %mul3A_2 = arith.muli %add3A, %mul3A_1 : i32
    "tpu.region"() ({
      %run_scoped3A = tpu.sem_alloc : memref<!tpu.dma_semaphore, #tpu.memory_space<semaphore_mem>>
      %dma_start3A_165 = arith.constant 0 : i32
      %dma_start3A_166 = arith.constant 0 : i32
      %dma_start3A_167 = tpu.memref_slice %arg2[%add3A, %dma_start3A_165, %dma_start3A_166] : memref<32x200x128xi32, #tpu.memory_space<hbm>> -> memref<1x200x128xi32, #tpu.memory_space<hbm>>
      %dma_start3A_168 = tpu.memref_squeeze %dma_start3A_167 : memref<1x200x128xi32, #tpu.memory_space<hbm>> -> memref<200x128xi32, #tpu.memory_space<hbm>>
      %dma_start3A_169 = arith.constant 0 : i32
      %dma_start3A_170 = arith.constant 0 : i32
      %dma_start3A_171 = tpu.memref_slice %arg2[%add3A, %dma_start3A_169, %dma_start3A_170] : memref<32x200x128xi32, #tpu.memory_space<hbm>> -> memref<1x200x128xi32, #tpu.memory_space<hbm>>
      %dma_start3A_172 = tpu.memref_squeeze %dma_start3A_171 : memref<1x200x128xi32, #tpu.memory_space<hbm>> -> memref<200x128xi32, #tpu.memory_space<hbm>>
      tpu.enqueue_dma source(%dma_start3A_172 : memref<200x128xi32, #tpu.memory_space<hbm>>) target(%arg6 : memref<200x128xi32, #tpu.memory_space<vmem>>) target_semaphore(%run_scoped3A : memref<!tpu.dma_semaphore, #tpu.memory_space<semaphore_mem>>)
      %dma_wait3A_173 = arith.constant 0 : i32
      %dma_wait3A_174 = arith.constant 0 : i32
      %dma_wait3A_175 = tpu.memref_slice %arg2[%add3A, %dma_wait3A_173, %dma_wait3A_174] : memref<32x200x128xi32, #tpu.memory_space<hbm>> -> memref<1x200x128xi32, #tpu.memory_space<hbm>>
      %dma_wait3A_176 = tpu.memref_squeeze %dma_wait3A_175 : memref<1x200x128xi32, #tpu.memory_space<hbm>> -> memref<200x128xi32, #tpu.memory_space<hbm>>
      %dma_wait3A_177 = arith.constant 0 : i32
      %dma_wait3A_178 = arith.constant 0 : i32
      %dma_wait3A_179 = tpu.memref_slice %arg2[%add3A, %dma_wait3A_177, %dma_wait3A_178] : memref<32x200x128xi32, #tpu.memory_space<hbm>> -> memref<1x200x128xi32, #tpu.memory_space<hbm>>
      %dma_wait3A_180 = tpu.memref_squeeze %dma_wait3A_179 : memref<1x200x128xi32, #tpu.memory_space<hbm>> -> memref<200x128xi32, #tpu.memory_space<hbm>>
      tpu.wait_dma2 semaphore(%run_scoped3A : memref<!tpu.dma_semaphore, #tpu.memory_space<semaphore_mem>>) src(%dma_wait3A_180 : memref<200x128xi32, #tpu.memory_space<hbm>>) dst(%arg6 : memref<200x128xi32, #tpu.memory_space<vmem>>)
      tpu.yield
    }) : () -> ()
    %broadcast_in_dim3A = arith.constant 0.000000e+00 : f32
    %broadcast_in_dim3A_3 = vector.broadcast %broadcast_in_dim3A : f32 to vector<16xf32>
    %swap3A = arith.constant 0 : index
    %swap3A_4 = tpu.vector_load %arg11[%swap3A] {strides = array<i32>} : memref<16xf32, #tpu.memory_space<vmem>>, vector<16xf32>,
    %swap3A_5 = vector.shape_cast %swap3A_4 : vector<16xf32> to vector<16xf32>
    %swap3A_6 = vector.shape_cast %broadcast_in_dim3A_3 : vector<16xf32> to vector<16xf32>
    tpu.vector_store %arg11[%swap3A], %swap3A_6 {strides = array<i32>} : memref<16xf32, #tpu.memory_space<vmem>>, vector<16xf32>,
    %dma_start3A = arith.constant 0 : i32
    %dma_start3A_7 = arith.constant 0 : i32
    %dma_start3A_8 = tpu.memref_slice %arg6[%dma_start3A, %dma_start3A_7] : memref<200x128xi32, #tpu.memory_space<vmem>> -> memref<1x128xi32, #tpu.memory_space<vmem>>
    %dma_start3A_9 = tpu.memref_squeeze %dma_start3A_8 : memref<1x128xi32, #tpu.memory_space<vmem>> -> memref<128xi32, #tpu.memory_space<vmem>>
    %dma_start3A_10 = arith.constant 0 : i32
    %dma_start3A_11 = arith.constant 0 : i32
    %dma_start3A_12 = tpu.memref_slice %arg3[%dma_start3A_10, %dma_start3A_11] : memref<100000x128xf32, #tpu.memory_space<hbm>> -> memref<100000x128xf32, #tpu.memory_space<hbm>>
    tpu.enqueue_indirect_dma source(%dma_start3A_12 : memref<100000x128xf32, #tpu.memory_space<hbm>>) target(%arg7 : memref<128x128xf32, #tpu.memory_space<vmem>>) offsets(%dma_start3A_9 : memref<128xi32, #tpu.memory_space<vmem>>) semaphore(%arg12 : memref<!tpu.dma_semaphore, #tpu.memory_space<semaphore_mem>>)
    %dma_start3A_13 = arith.constant 1 : i32
    %dma_start3A_14 = arith.constant 0 : i32
    %dma_start3A_15 = tpu.memref_slice %arg6[%dma_start3A_13, %dma_start3A_14] : memref<200x128xi32, #tpu.memory_space<vmem>> -> memref<1x128xi32, #tpu.memory_space<vmem>>
    %dma_start3A_16 = tpu.memref_squeeze %dma_start3A_15 : memref<1x128xi32, #tpu.memory_space<vmem>> -> memref<128xi32, #tpu.memory_space<vmem>>
    %dma_start3A_17 = arith.constant 0 : i32
    %dma_start3A_18 = arith.constant 0 : i32
    %dma_start3A_19 = tpu.memref_slice %arg3[%dma_start3A_17, %dma_start3A_18] : memref<100000x128xf32, #tpu.memory_space<hbm>> -> memref<100000x128xf32, #tpu.memory_space<hbm>>
    tpu.enqueue_indirect_dma source(%dma_start3A_19 : memref<100000x128xf32, #tpu.memory_space<hbm>>) target(%arg8 : memref<128x128xf32, #tpu.memory_space<vmem>>) offsets(%dma_start3A_16 : memref<128xi32, #tpu.memory_space<vmem>>) semaphore(%arg13 : memref<!tpu.dma_semaphore, #tpu.memory_space<semaphore_mem>>)
    %dma_start3A_20 = arith.constant 2 : i32
    %dma_start3A_21 = arith.constant 0 : i32
    %dma_start3A_22 = tpu.memref_slice %arg6[%dma_start3A_20, %dma_start3A_21] : memref<200x128xi32, #tpu.memory_space<vmem>> -> memref<1x128xi32, #tpu.memory_space<vmem>>
    %dma_start3A_23 = tpu.memref_squeeze %dma_start3A_22 : memref<1x128xi32, #tpu.memory_space<vmem>> -> memref<128xi32, #tpu.memory_space<vmem>>
    %dma_start3A_24 = arith.constant 0 : i32
    %dma_start3A_25 = arith.constant 0 : i32
    %dma_start3A_26 = tpu.memref_slice %arg3[%dma_start3A_24, %dma_start3A_25] : memref<100000x128xf32, #tpu.memory_space<hbm>> -> memref<100000x128xf32, #tpu.memory_space<hbm>>
    tpu.enqueue_indirect_dma source(%dma_start3A_26 : memref<100000x128xf32, #tpu.memory_space<hbm>>) target(%arg9 : memref<128x128xf32, #tpu.memory_space<vmem>>) offsets(%dma_start3A_23 : memref<128xi32, #tpu.memory_space<vmem>>) semaphore(%arg14 : memref<!tpu.dma_semaphore, #tpu.memory_space<semaphore_mem>>)
    %dma_start3A_27 = arith.constant 3 : i32
    %dma_start3A_28 = arith.constant 0 : i32
    %dma_start3A_29 = tpu.memref_slice %arg6[%dma_start3A_27, %dma_start3A_28] : memref<200x128xi32, #tpu.memory_space<vmem>> -> memref<1x128xi32, #tpu.memory_space<vmem>>
    %dma_start3A_30 = tpu.memref_squeeze %dma_start3A_29 : memref<1x128xi32, #tpu.memory_space<vmem>> -> memref<128xi32, #tpu.memory_space<vmem>>
    %dma_start3A_31 = arith.constant 0 : i32
    %dma_start3A_32 = arith.constant 0 : i32
    %dma_start3A_33 = tpu.memref_slice %arg3[%dma_start3A_31, %dma_start3A_32] : memref<100000x128xf32, #tpu.memory_space<hbm>> -> memref<100000x128xf32, #tpu.memory_space<hbm>>
    tpu.enqueue_indirect_dma source(%dma_start3A_33 : memref<100000x128xf32, #tpu.memory_space<hbm>>) target(%arg10 : memref<128x128xf32, #tpu.memory_space<vmem>>) offsets(%dma_start3A_30 : memref<128xi32, #tpu.memory_space<vmem>>) semaphore(%arg15 : memref<!tpu.dma_semaphore, #tpu.memory_space<semaphore_mem>>)
    %scan3A = arith.constant 0 : i32
    %scan3A_34 = arith.constant 0 : i32
    %scan3A_35 = arith.constant 49 : i32
    %scan3A_36 = arith.addi %scan3A_34, %scan3A_35 : i32
    %scan3A_37 = arith.constant 1 : i32
    scf.for %scan3A_165 = %scan3A_34 to %scan3A_36 step %scan3A_37  : i32 {
      %mul3A_166 = arith.constant 4 : i32
      %mul3A_167 = arith.muli %scan3A_165, %mul3A_166 : i32
      %add3A_168 = arith.constant 0 : i32
      %add3A_169 = arith.addi %mul3A_167, %add3A_168 : i32
      %dma_wait3A_170 = arith.constant 0 : i32
      %dma_wait3A_171 = tpu.memref_slice %arg6[%add3A_169, %dma_wait3A_170] : memref<200x128xi32, #tpu.memory_space<vmem>> -> memref<1x128xi32, #tpu.memory_space<vmem>>
      %dma_wait3A_172 = tpu.memref_squeeze %dma_wait3A_171 : memref<1x128xi32, #tpu.memory_space<vmem>> -> memref<128xi32, #tpu.memory_space<vmem>>
      %dma_wait3A_173 = arith.constant 0 : i32
      %dma_wait3A_174 = arith.constant 0 : i32
      %dma_wait3A_175 = tpu.memref_slice %arg3[%dma_wait3A_173, %dma_wait3A_174] : memref<100000x128xf32, #tpu.memory_space<hbm>> -> memref<100000x128xf32, #tpu.memory_space<hbm>>
      tpu.wait_indirect_dma semaphore(%arg12 : memref<!tpu.dma_semaphore, #tpu.memory_space<semaphore_mem>>) src(%dma_wait3A_175 : memref<100000x128xf32, #tpu.memory_space<hbm>>) dst(%arg7 : memref<128x128xf32, #tpu.memory_space<vmem>>)
      %mul3A_176 = arith.constant 128 : i32
      %mul3A_177 = arith.muli %add3A_169, %mul3A_176 : i32
      %add3A_178 = arith.addi %mul3A_2, %mul3A_177 : i32
      %dma_start3A_179 = arith.constant 0 : i32
      %dma_start3A_180 = tpu.memref_slice %arg4[%add3A_178, %dma_start3A_179] : memref<819200x128xf32, #tpu.memory_space<hbm>> -> memref<128x128xf32, #tpu.memory_space<hbm>>
      %dma_start3A_181 = arith.constant 0 : i32
      %dma_start3A_182 = tpu.memref_slice %arg4[%add3A_178, %dma_start3A_181] : memref<819200x128xf32, #tpu.memory_space<hbm>> -> memref<128x128xf32, #tpu.memory_space<hbm>>
      tpu.enqueue_dma source(%arg7 : memref<128x128xf32, #tpu.memory_space<vmem>>) target(%dma_start3A_182 : memref<128x128xf32, #tpu.memory_space<hbm>>) target_semaphore(%arg16 : memref<!tpu.dma_semaphore, #tpu.memory_space<semaphore_mem>>)
      %get3A_183 = arith.constant 0 : index
      %get3A_184 = tpu.vector_load %arg11[%get3A_183] {strides = array<i32>} : memref<16xf32, #tpu.memory_space<vmem>>, vector<16xf32>,
      %get3A_185 = vector.shape_cast %get3A_184 : vector<16xf32> to vector<16xf32>
      %scan3A_186 = arith.constant 0 : i32
      %scan3A_187 = arith.constant 128 : i32
      %scan3A_188 = arith.addi %scan3A_186, %scan3A_187 : i32
      %scan3A_189 = arith.constant 1 : i32
      %scan3A_190 = scf.for %scan3A_340 = %scan3A_186 to %scan3A_188 step %scan3A_189 iter_args(%scan3A_341 = %get3A_185) -> (vector<16xf32>)  : i32 {
        %get3A_342 = arith.index_cast %scan3A_340 : i32 to index
        %get3A_343 = arith.constant 0 : index
        %get3A_344 = tpu.vector_load %arg7[%get3A_342, %get3A_343] {strides = array<i32>} : memref<128x128xf32, #tpu.memory_space<vmem>>, vector<1x16xf32>,
        %get3A_345 = vector.shape_cast %get3A_344 : vector<1x16xf32> to vector<16xf32>
        %add3A_346 = arith.addf %scan3A_341, %get3A_345 : vector<16xf32>
        %get3A_347 = arith.index_cast %scan3A_340 : i32 to index
        %get3A_348 = arith.constant 16 : index
        %get3A_349 = tpu.vector_load %arg7[%get3A_347, %get3A_348] {strides = array<i32>} : memref<128x128xf32, #tpu.memory_space<vmem>>, vector<1x16xf32>,
        %get3A_350 = vector.shape_cast %get3A_349 : vector<1x16xf32> to vector<16xf32>
        %add3A_351 = arith.addf %add3A_346, %get3A_350 : vector<16xf32>
        %get3A_352 = arith.index_cast %scan3A_340 : i32 to index
        %get3A_353 = arith.constant 32 : index
        %get3A_354 = tpu.vector_load %arg7[%get3A_352, %get3A_353] {strides = array<i32>} : memref<128x128xf32, #tpu.memory_space<vmem>>, vector<1x16xf32>,
        %get3A_355 = vector.shape_cast %get3A_354 : vector<1x16xf32> to vector<16xf32>
        %add3A_356 = arith.addf %add3A_351, %get3A_355 : vector<16xf32>
        %get3A_357 = arith.index_cast %scan3A_340 : i32 to index
        %get3A_358 = arith.constant 48 : index
        %get3A_359 = tpu.vector_load %arg7[%get3A_357, %get3A_358] {strides = array<i32>} : memref<128x128xf32, #tpu.memory_space<vmem>>, vector<1x16xf32>,
        %get3A_360 = vector.shape_cast %get3A_359 : vector<1x16xf32> to vector<16xf32>
        %add3A_361 = arith.addf %add3A_356, %get3A_360 : vector<16xf32>
        %get3A_362 = arith.index_cast %scan3A_340 : i32 to index
        %get3A_363 = arith.constant 64 : index
        %get3A_364 = tpu.vector_load %arg7[%get3A_362, %get3A_363] {strides = array<i32>} : memref<128x128xf32, #tpu.memory_space<vmem>>, vector<1x16xf32>,
        %get3A_365 = vector.shape_cast %get3A_364 : vector<1x16xf32> to vector<16xf32>
        %add3A_366 = arith.addf %add3A_361, %get3A_365 : vector<16xf32>
        %get3A_367 = arith.index_cast %scan3A_340 : i32 to index
        %get3A_368 = arith.constant 80 : index
        %get3A_369 = tpu.vector_load %arg7[%get3A_367, %get3A_368] {strides = array<i32>} : memref<128x128xf32, #tpu.memory_space<vmem>>, vector<1x16xf32>,
        %get3A_370 = vector.shape_cast %get3A_369 : vector<1x16xf32> to vector<16xf32>
        %add3A_371 = arith.addf %add3A_366, %get3A_370 : vector<16xf32>
        %get3A_372 = arith.index_cast %scan3A_340 : i32 to index
        %get3A_373 = arith.constant 96 : index
        %get3A_374 = tpu.vector_load %arg7[%get3A_372, %get3A_373] {strides = array<i32>} : memref<128x128xf32, #tpu.memory_space<vmem>>, vector<1x16xf32>,
        %get3A_375 = vector.shape_cast %get3A_374 : vector<1x16xf32> to vector<16xf32>
        %add3A_376 = arith.addf %add3A_371, %get3A_375 : vector<16xf32>
        %get3A_377 = arith.index_cast %scan3A_340 : i32 to index
        %get3A_378 = arith.constant 112 : index
        %get3A_379 = tpu.vector_load %arg7[%get3A_377, %get3A_378] {strides = array<i32>} : memref<128x128xf32, #tpu.memory_space<vmem>>, vector<1x16xf32>,
        %get3A_380 = vector.shape_cast %get3A_379 : vector<1x16xf32> to vector<16xf32>
        %add3A_381 = arith.addf %add3A_376, %get3A_380 : vector<16xf32>
        scf.yield %add3A_381 : vector<16xf32>
      }
      %scan3A_191 = arith.constant 128 : i32
      %swap3A_192 = arith.constant 0 : index
      %swap3A_193 = tpu.vector_load %arg11[%swap3A_192] {strides = array<i32>} : memref<16xf32, #tpu.memory_space<vmem>>, vector<16xf32>,
      %swap3A_194 = vector.shape_cast %swap3A_193 : vector<16xf32> to vector<16xf32>
      %swap3A_195 = vector.shape_cast %scan3A_190 : vector<16xf32> to vector<16xf32>
      tpu.vector_store %arg11[%swap3A_192], %swap3A_195 {strides = array<i32>} : memref<16xf32, #tpu.memory_space<vmem>>, vector<16xf32>,
      %mul3A_196 = arith.constant 128 : i32
      %mul3A_197 = arith.muli %add3A_169, %mul3A_196 : i32
      %add3A_198 = arith.addi %mul3A_2, %mul3A_197 : i32
      %dma_wait3A_199 = arith.constant 0 : i32
      %dma_wait3A_200 = tpu.memref_slice %arg4[%add3A_198, %dma_wait3A_199] : memref<819200x128xf32, #tpu.memory_space<hbm>> -> memref<128x128xf32, #tpu.memory_space<hbm>>
      %dma_wait3A_201 = arith.constant 0 : i32
      %dma_wait3A_202 = tpu.memref_slice %arg4[%add3A_198, %dma_wait3A_201] : memref<819200x128xf32, #tpu.memory_space<hbm>> -> memref<128x128xf32, #tpu.memory_space<hbm>>
      tpu.wait_dma2 semaphore(%arg16 : memref<!tpu.dma_semaphore, #tpu.memory_space<semaphore_mem>>) src(%arg7 : memref<128x128xf32, #tpu.memory_space<vmem>>) dst(%dma_wait3A_202 : memref<128x128xf32, #tpu.memory_space<hbm>>)
      %add3A_203 = arith.constant 4 : i32
      %add3A_204 = arith.addi %add3A_169, %add3A_203 : i32
      %dma_start3A_205 = arith.constant 0 : i32
      %dma_start3A_206 = tpu.memref_slice %arg6[%add3A_204, %dma_start3A_205] : memref<200x128xi32, #tpu.memory_space<vmem>> -> memref<1x128xi32, #tpu.memory_space<vmem>>
      %dma_start3A_207 = tpu.memref_squeeze %dma_start3A_206 : memref<1x128xi32, #tpu.memory_space<vmem>> -> memref<128xi32, #tpu.memory_space<vmem>>
      %dma_start3A_208 = arith.constant 0 : i32
      %dma_start3A_209 = arith.constant 0 : i32
      %dma_start3A_210 = tpu.memref_slice %arg3[%dma_start3A_208, %dma_start3A_209] : memref<100000x128xf32, #tpu.memory_space<hbm>> -> memref<100000x128xf32, #tpu.memory_space<hbm>>
      tpu.enqueue_indirect_dma source(%dma_start3A_210 : memref<100000x128xf32, #tpu.memory_space<hbm>>) target(%arg7 : memref<128x128xf32, #tpu.memory_space<vmem>>) offsets(%dma_start3A_207 : memref<128xi32, #tpu.memory_space<vmem>>) semaphore(%arg12 : memref<!tpu.dma_semaphore, #tpu.memory_space<semaphore_mem>>)
      %add3A_211 = arith.constant 1 : i32
      %add3A_212 = arith.addi %mul3A_167, %add3A_211 : i32
      %dma_wait3A_213 = arith.constant 0 : i32
      %dma_wait3A_214 = tpu.memref_slice %arg6[%add3A_212, %dma_wait3A_213] : memref<200x128xi32, #tpu.memory_space<vmem>> -> memref<1x128xi32, #tpu.memory_space<vmem>>
      %dma_wait3A_215 = tpu.memref_squeeze %dma_wait3A_214 : memref<1x128xi32, #tpu.memory_space<vmem>> -> memref<128xi32, #tpu.memory_space<vmem>>
      %dma_wait3A_216 = arith.constant 0 : i32
      %dma_wait3A_217 = arith.constant 0 : i32
      %dma_wait3A_218 = tpu.memref_slice %arg3[%dma_wait3A_216, %dma_wait3A_217] : memref<100000x128xf32, #tpu.memory_space<hbm>> -> memref<100000x128xf32, #tpu.memory_space<hbm>>
      tpu.wait_indirect_dma semaphore(%arg13 : memref<!tpu.dma_semaphore, #tpu.memory_space<semaphore_mem>>) src(%dma_wait3A_218 : memref<100000x128xf32, #tpu.memory_space<hbm>>) dst(%arg8 : memref<128x128xf32, #tpu.memory_space<vmem>>)
      %mul3A_219 = arith.constant 128 : i32
      %mul3A_220 = arith.muli %add3A_212, %mul3A_219 : i32
      %add3A_221 = arith.addi %mul3A_2, %mul3A_220 : i32
      %dma_start3A_222 = arith.constant 0 : i32
      %dma_start3A_223 = tpu.memref_slice %arg4[%add3A_221, %dma_start3A_222] : memref<819200x128xf32, #tpu.memory_space<hbm>> -> memref<128x128xf32, #tpu.memory_space<hbm>>
      %dma_start3A_224 = arith.constant 0 : i32
      %dma_start3A_225 = tpu.memref_slice %arg4[%add3A_221, %dma_start3A_224] : memref<819200x128xf32, #tpu.memory_space<hbm>> -> memref<128x128xf32, #tpu.memory_space<hbm>>
      tpu.enqueue_dma source(%arg8 : memref<128x128xf32, #tpu.memory_space<vmem>>) target(%dma_start3A_225 : memref<128x128xf32, #tpu.memory_space<hbm>>) target_semaphore(%arg17 : memref<!tpu.dma_semaphore, #tpu.memory_space<semaphore_mem>>)
      %get3A_226 = arith.constant 0 : index
      %get3A_227 = tpu.vector_load %arg11[%get3A_226] {strides = array<i32>} : memref<16xf32, #tpu.memory_space<vmem>>, vector<16xf32>,
      %get3A_228 = vector.shape_cast %get3A_227 : vector<16xf32> to vector<16xf32>
      %scan3A_229 = arith.constant 0 : i32
      %scan3A_230 = arith.constant 128 : i32
      %scan3A_231 = arith.addi %scan3A_229, %scan3A_230 : i32
      %scan3A_232 = arith.constant 1 : i32
      %scan3A_233 = scf.for %scan3A_340 = %scan3A_229 to %scan3A_231 step %scan3A_232 iter_args(%scan3A_341 = %get3A_228) -> (vector<16xf32>)  : i32 {
        %get3A_342 = arith.index_cast %scan3A_340 : i32 to index
        %get3A_343 = arith.constant 0 : index
        %get3A_344 = tpu.vector_load %arg8[%get3A_342, %get3A_343] {strides = array<i32>} : memref<128x128xf32, #tpu.memory_space<vmem>>, vector<1x16xf32>,
        %get3A_345 = vector.shape_cast %get3A_344 : vector<1x16xf32> to vector<16xf32>
        %add3A_346 = arith.addf %scan3A_341, %get3A_345 : vector<16xf32>
        %get3A_347 = arith.index_cast %scan3A_340 : i32 to index
        %get3A_348 = arith.constant 16 : index
        %get3A_349 = tpu.vector_load %arg8[%get3A_347, %get3A_348] {strides = array<i32>} : memref<128x128xf32, #tpu.memory_space<vmem>>, vector<1x16xf32>,
        %get3A_350 = vector.shape_cast %get3A_349 : vector<1x16xf32> to vector<16xf32>
        %add3A_351 = arith.addf %add3A_346, %get3A_350 : vector<16xf32>
        %get3A_352 = arith.index_cast %scan3A_340 : i32 to index
        %get3A_353 = arith.constant 32 : index
        %get3A_354 = tpu.vector_load %arg8[%get3A_352, %get3A_353] {strides = array<i32>} : memref<128x128xf32, #tpu.memory_space<vmem>>, vector<1x16xf32>,
        %get3A_355 = vector.shape_cast %get3A_354 : vector<1x16xf32> to vector<16xf32>
        %add3A_356 = arith.addf %add3A_351, %get3A_355 : vector<16xf32>
        %get3A_357 = arith.index_cast %scan3A_340 : i32 to index
        %get3A_358 = arith.constant 48 : index
        %get3A_359 = tpu.vector_load %arg8[%get3A_357, %get3A_358] {strides = array<i32>} : memref<128x128xf32, #tpu.memory_space<vmem>>, vector<1x16xf32>,
        %get3A_360 = vector.shape_cast %get3A_359 : vector<1x16xf32> to vector<16xf32>
        %add3A_361 = arith.addf %add3A_356, %get3A_360 : vector<16xf32>
        %get3A_362 = arith.index_cast %scan3A_340 : i32 to index
        %get3A_363 = arith.constant 64 : index
        %get3A_364 = tpu.vector_load %arg8[%get3A_362, %get3A_363] {strides = array<i32>} : memref<128x128xf32, #tpu.memory_space<vmem>>, vector<1x16xf32>,
        %get3A_365 = vector.shape_cast %get3A_364 : vector<1x16xf32> to vector<16xf32>
        %add3A_366 = arith.addf %add3A_361, %get3A_365 : vector<16xf32>
        %get3A_367 = arith.index_cast %scan3A_340 : i32 to index
        %get3A_368 = arith.constant 80 : index
        %get3A_369 = tpu.vector_load %arg8[%get3A_367, %get3A_368] {strides = array<i32>} : memref<128x128xf32, #tpu.memory_space<vmem>>, vector<1x16xf32>,
        %get3A_370 = vector.shape_cast %get3A_369 : vector<1x16xf32> to vector<16xf32>
        %add3A_371 = arith.addf %add3A_366, %get3A_370 : vector<16xf32>
        %get3A_372 = arith.index_cast %scan3A_340 : i32 to index
        %get3A_373 = arith.constant 96 : index
        %get3A_374 = tpu.vector_load %arg8[%get3A_372, %get3A_373] {strides = array<i32>} : memref<128x128xf32, #tpu.memory_space<vmem>>, vector<1x16xf32>,
        %get3A_375 = vector.shape_cast %get3A_374 : vector<1x16xf32> to vector<16xf32>
        %add3A_376 = arith.addf %add3A_371, %get3A_375 : vector<16xf32>
        %get3A_377 = arith.index_cast %scan3A_340 : i32 to index
        %get3A_378 = arith.constant 112 : index
        %get3A_379 = tpu.vector_load %arg8[%get3A_377, %get3A_378] {strides = array<i32>} : memref<128x128xf32, #tpu.memory_space<vmem>>, vector<1x16xf32>,
        %get3A_380 = vector.shape_cast %get3A_379 : vector<1x16xf32> to vector<16xf32>
        %add3A_381 = arith.addf %add3A_376, %get3A_380 : vector<16xf32>
        scf.yield %add3A_381 : vector<16xf32>
      }
      %scan3A_234 = arith.constant 128 : i32
      %swap3A_235 = arith.constant 0 : index
      %swap3A_236 = tpu.vector_load %arg11[%swap3A_235] {strides = array<i32>} : memref<16xf32, #tpu.memory_space<vmem>>, vector<16xf32>,
      %swap3A_237 = vector.shape_cast %swap3A_236 : vector<16xf32> to vector<16xf32>
      %swap3A_238 = vector.shape_cast %scan3A_233 : vector<16xf32> to vector<16xf32>
      tpu.vector_store %arg11[%swap3A_235], %swap3A_238 {strides = array<i32>} : memref<16xf32, #tpu.memory_space<vmem>>, vector<16xf32>,
      %mul3A_239 = arith.constant 128 : i32
      %mul3A_240 = arith.muli %add3A_212, %mul3A_239 : i32
      %add3A_241 = arith.addi %mul3A_2, %mul3A_240 : i32
      %dma_wait3A_242 = arith.constant 0 : i32
      %dma_wait3A_243 = tpu.memref_slice %arg4[%add3A_241, %dma_wait3A_242] : memref<819200x128xf32, #tpu.memory_space<hbm>> -> memref<128x128xf32, #tpu.memory_space<hbm>>
      %dma_wait3A_244 = arith.constant 0 : i32
      %dma_wait3A_245 = tpu.memref_slice %arg4[%add3A_241, %dma_wait3A_244] : memref<819200x128xf32, #tpu.memory_space<hbm>> -> memref<128x128xf32, #tpu.memory_space<hbm>>
      tpu.wait_dma2 semaphore(%arg17 : memref<!tpu.dma_semaphore, #tpu.memory_space<semaphore_mem>>) src(%arg8 : memref<128x128xf32, #tpu.memory_space<vmem>>) dst(%dma_wait3A_245 : memref<128x128xf32, #tpu.memory_space<hbm>>)
      %add3A_246 = arith.constant 4 : i32
      %add3A_247 = arith.addi %add3A_212, %add3A_246 : i32
      %dma_start3A_248 = arith.constant 0 : i32
      %dma_start3A_249 = tpu.memref_slice %arg6[%add3A_247, %dma_start3A_248] : memref<200x128xi32, #tpu.memory_space<vmem>> -> memref<1x128xi32, #tpu.memory_space<vmem>>
      %dma_start3A_250 = tpu.memref_squeeze %dma_start3A_249 : memref<1x128xi32, #tpu.memory_space<vmem>> -> memref<128xi32, #tpu.memory_space<vmem>>
      %dma_start3A_251 = arith.constant 0 : i32
      %dma_start3A_252 = arith.constant 0 : i32
      %dma_start3A_253 = tpu.memref_slice %arg3[%dma_start3A_251, %dma_start3A_252] : memref<100000x128xf32, #tpu.memory_space<hbm>> -> memref<100000x128xf32, #tpu.memory_space<hbm>>
      tpu.enqueue_indirect_dma source(%dma_start3A_253 : memref<100000x128xf32, #tpu.memory_space<hbm>>) target(%arg8 : memref<128x128xf32, #tpu.memory_space<vmem>>) offsets(%dma_start3A_250 : memref<128xi32, #tpu.memory_space<vmem>>) semaphore(%arg13 : memref<!tpu.dma_semaphore, #tpu.memory_space<semaphore_mem>>)
      %add3A_254 = arith.constant 2 : i32
      %add3A_255 = arith.addi %mul3A_167, %add3A_254 : i32
      %dma_wait3A_256 = arith.constant 0 : i32
      %dma_wait3A_257 = tpu.memref_slice %arg6[%add3A_255, %dma_wait3A_256] : memref<200x128xi32, #tpu.memory_space<vmem>> -> memref<1x128xi32, #tpu.memory_space<vmem>>
      %dma_wait3A_258 = tpu.memref_squeeze %dma_wait3A_257 : memref<1x128xi32, #tpu.memory_space<vmem>> -> memref<128xi32, #tpu.memory_space<vmem>>
      %dma_wait3A_259 = arith.constant 0 : i32
      %dma_wait3A_260 = arith.constant 0 : i32
      %dma_wait3A_261 = tpu.memref_slice %arg3[%dma_wait3A_259, %dma_wait3A_260] : memref<100000x128xf32, #tpu.memory_space<hbm>> -> memref<100000x128xf32, #tpu.memory_space<hbm>>
      tpu.wait_indirect_dma semaphore(%arg14 : memref<!tpu.dma_semaphore, #tpu.memory_space<semaphore_mem>>) src(%dma_wait3A_261 : memref<100000x128xf32, #tpu.memory_space<hbm>>) dst(%arg9 : memref<128x128xf32, #tpu.memory_space<vmem>>)
      %mul3A_262 = arith.constant 128 : i32
      %mul3A_263 = arith.muli %add3A_255, %mul3A_262 : i32
      %add3A_264 = arith.addi %mul3A_2, %mul3A_263 : i32
      %dma_start3A_265 = arith.constant 0 : i32
      %dma_start3A_266 = tpu.memref_slice %arg4[%add3A_264, %dma_start3A_265] : memref<819200x128xf32, #tpu.memory_space<hbm>> -> memref<128x128xf32, #tpu.memory_space<hbm>>
      %dma_start3A_267 = arith.constant 0 : i32
      %dma_start3A_268 = tpu.memref_slice %arg4[%add3A_264, %dma_start3A_267] : memref<819200x128xf32, #tpu.memory_space<hbm>> -> memref<128x128xf32, #tpu.memory_space<hbm>>
      tpu.enqueue_dma source(%arg9 : memref<128x128xf32, #tpu.memory_space<vmem>>) target(%dma_start3A_268 : memref<128x128xf32, #tpu.memory_space<hbm>>) target_semaphore(%arg18 : memref<!tpu.dma_semaphore, #tpu.memory_space<semaphore_mem>>)
      %get3A_269 = arith.constant 0 : index
      %get3A_270 = tpu.vector_load %arg11[%get3A_269] {strides = array<i32>} : memref<16xf32, #tpu.memory_space<vmem>>, vector<16xf32>,
      %get3A_271 = vector.shape_cast %get3A_270 : vector<16xf32> to vector<16xf32>
      %scan3A_272 = arith.constant 0 : i32
      %scan3A_273 = arith.constant 128 : i32
      %scan3A_274 = arith.addi %scan3A_272, %scan3A_273 : i32
      %scan3A_275 = arith.constant 1 : i32
      %scan3A_276 = scf.for %scan3A_340 = %scan3A_272 to %scan3A_274 step %scan3A_275 iter_args(%scan3A_341 = %get3A_271) -> (vector<16xf32>)  : i32 {
        %get3A_342 = arith.index_cast %scan3A_340 : i32 to index
        %get3A_343 = arith.constant 0 : index
        %get3A_344 = tpu.vector_load %arg9[%get3A_342, %get3A_343] {strides = array<i32>} : memref<128x128xf32, #tpu.memory_space<vmem>>, vector<1x16xf32>,
        %get3A_345 = vector.shape_cast %get3A_344 : vector<1x16xf32> to vector<16xf32>
        %add3A_346 = arith.addf %scan3A_341, %get3A_345 : vector<16xf32>
        %get3A_347 = arith.index_cast %scan3A_340 : i32 to index
        %get3A_348 = arith.constant 16 : index
        %get3A_349 = tpu.vector_load %arg9[%get3A_347, %get3A_348] {strides = array<i32>} : memref<128x128xf32, #tpu.memory_space<vmem>>, vector<1x16xf32>,
        %get3A_350 = vector.shape_cast %get3A_349 : vector<1x16xf32> to vector<16xf32>
        %add3A_351 = arith.addf %add3A_346, %get3A_350 : vector<16xf32>
        %get3A_352 = arith.index_cast %scan3A_340 : i32 to index
        %get3A_353 = arith.constant 32 : index
        %get3A_354 = tpu.vector_load %arg9[%get3A_352, %get3A_353] {strides = array<i32>} : memref<128x128xf32, #tpu.memory_space<vmem>>, vector<1x16xf32>,
        %get3A_355 = vector.shape_cast %get3A_354 : vector<1x16xf32> to vector<16xf32>
        %add3A_356 = arith.addf %add3A_351, %get3A_355 : vector<16xf32>
        %get3A_357 = arith.index_cast %scan3A_340 : i32 to index
        %get3A_358 = arith.constant 48 : index
        %get3A_359 = tpu.vector_load %arg9[%get3A_357, %get3A_358] {strides = array<i32>} : memref<128x128xf32, #tpu.memory_space<vmem>>, vector<1x16xf32>,
        %get3A_360 = vector.shape_cast %get3A_359 : vector<1x16xf32> to vector<16xf32>
        %add3A_361 = arith.addf %add3A_356, %get3A_360 : vector<16xf32>
        %get3A_362 = arith.index_cast %scan3A_340 : i32 to index
        %get3A_363 = arith.constant 64 : index
        %get3A_364 = tpu.vector_load %arg9[%get3A_362, %get3A_363] {strides = array<i32>} : memref<128x128xf32, #tpu.memory_space<vmem>>, vector<1x16xf32>,
        %get3A_365 = vector.shape_cast %get3A_364 : vector<1x16xf32> to vector<16xf32>
        %add3A_366 = arith.addf %add3A_361, %get3A_365 : vector<16xf32>
        %get3A_367 = arith.index_cast %scan3A_340 : i32 to index
        %get3A_368 = arith.constant 80 : index
        %get3A_369 = tpu.vector_load %arg9[%get3A_367, %get3A_368] {strides = array<i32>} : memref<128x128xf32, #tpu.memory_space<vmem>>, vector<1x16xf32>,
        %get3A_370 = vector.shape_cast %get3A_369 : vector<1x16xf32> to vector<16xf32>
        %add3A_371 = arith.addf %add3A_366, %get3A_370 : vector<16xf32>
        %get3A_372 = arith.index_cast %scan3A_340 : i32 to index
        %get3A_373 = arith.constant 96 : index
        %get3A_374 = tpu.vector_load %arg9[%get3A_372, %get3A_373] {strides = array<i32>} : memref<128x128xf32, #tpu.memory_space<vmem>>, vector<1x16xf32>,
        %get3A_375 = vector.shape_cast %get3A_374 : vector<1x16xf32> to vector<16xf32>
        %add3A_376 = arith.addf %add3A_371, %get3A_375 : vector<16xf32>
        %get3A_377 = arith.index_cast %scan3A_340 : i32 to index
        %get3A_378 = arith.constant 112 : index
        %get3A_379 = tpu.vector_load %arg9[%get3A_377, %get3A_378] {strides = array<i32>} : memref<128x128xf32, #tpu.memory_space<vmem>>, vector<1x16xf32>,
        %get3A_380 = vector.shape_cast %get3A_379 : vector<1x16xf32> to vector<16xf32>
        %add3A_381 = arith.addf %add3A_376, %get3A_380 : vector<16xf32>
        scf.yield %add3A_381 : vector<16xf32>
      }
      %scan3A_277 = arith.constant 128 : i32
      %swap3A_278 = arith.constant 0 : index
      %swap3A_279 = tpu.vector_load %arg11[%swap3A_278] {strides = array<i32>} : memref<16xf32, #tpu.memory_space<vmem>>, vector<16xf32>,
      %swap3A_280 = vector.shape_cast %swap3A_279 : vector<16xf32> to vector<16xf32>
      %swap3A_281 = vector.shape_cast %scan3A_276 : vector<16xf32> to vector<16xf32>
      tpu.vector_store %arg11[%swap3A_278], %swap3A_281 {strides = array<i32>} : memref<16xf32, #tpu.memory_space<vmem>>, vector<16xf32>,
      %mul3A_282 = arith.constant 128 : i32
      %mul3A_283 = arith.muli %add3A_255, %mul3A_282 : i32
      %add3A_284 = arith.addi %mul3A_2, %mul3A_283 : i32
      %dma_wait3A_285 = arith.constant 0 : i32
      %dma_wait3A_286 = tpu.memref_slice %arg4[%add3A_284, %dma_wait3A_285] : memref<819200x128xf32, #tpu.memory_space<hbm>> -> memref<128x128xf32, #tpu.memory_space<hbm>>
      %dma_wait3A_287 = arith.constant 0 : i32
      %dma_wait3A_288 = tpu.memref_slice %arg4[%add3A_284, %dma_wait3A_287] : memref<819200x128xf32, #tpu.memory_space<hbm>> -> memref<128x128xf32, #tpu.memory_space<hbm>>
      tpu.wait_dma2 semaphore(%arg18 : memref<!tpu.dma_semaphore, #tpu.memory_space<semaphore_mem>>) src(%arg9 : memref<128x128xf32, #tpu.memory_space<vmem>>) dst(%dma_wait3A_288 : memref<128x128xf32, #tpu.memory_space<hbm>>)
      %add3A_289 = arith.constant 4 : i32
      %add3A_290 = arith.addi %add3A_255, %add3A_289 : i32
      %dma_start3A_291 = arith.constant 0 : i32
      %dma_start3A_292 = tpu.memref_slice %arg6[%add3A_290, %dma_start3A_291] : memref<200x128xi32, #tpu.memory_space<vmem>> -> memref<1x128xi32, #tpu.memory_space<vmem>>
      %dma_start3A_293 = tpu.memref_squeeze %dma_start3A_292 : memref<1x128xi32, #tpu.memory_space<vmem>> -> memref<128xi32, #tpu.memory_space<vmem>>
      %dma_start3A_294 = arith.constant 0 : i32
      %dma_start3A_295 = arith.constant 0 : i32
      %dma_start3A_296 = tpu.memref_slice %arg3[%dma_start3A_294, %dma_start3A_295] : memref<100000x128xf32, #tpu.memory_space<hbm>> -> memref<100000x128xf32, #tpu.memory_space<hbm>>
      tpu.enqueue_indirect_dma source(%dma_start3A_296 : memref<100000x128xf32, #tpu.memory_space<hbm>>) target(%arg9 : memref<128x128xf32, #tpu.memory_space<vmem>>) offsets(%dma_start3A_293 : memref<128xi32, #tpu.memory_space<vmem>>) semaphore(%arg14 : memref<!tpu.dma_semaphore, #tpu.memory_space<semaphore_mem>>)
      %add3A_297 = arith.constant 3 : i32
      %add3A_298 = arith.addi %mul3A_167, %add3A_297 : i32
      %dma_wait3A_299 = arith.constant 0 : i32
      %dma_wait3A_300 = tpu.memref_slice %arg6[%add3A_298, %dma_wait3A_299] : memref<200x128xi32, #tpu.memory_space<vmem>> -> memref<1x128xi32, #tpu.memory_space<vmem>>
      %dma_wait3A_301 = tpu.memref_squeeze %dma_wait3A_300 : memref<1x128xi32, #tpu.memory_space<vmem>> -> memref<128xi32, #tpu.memory_space<vmem>>
      %dma_wait3A_302 = arith.constant 0 : i32
      %dma_wait3A_303 = arith.constant 0 : i32
      %dma_wait3A_304 = tpu.memref_slice %arg3[%dma_wait3A_302, %dma_wait3A_303] : memref<100000x128xf32, #tpu.memory_space<hbm>> -> memref<100000x128xf32, #tpu.memory_space<hbm>>
      tpu.wait_indirect_dma semaphore(%arg15 : memref<!tpu.dma_semaphore, #tpu.memory_space<semaphore_mem>>) src(%dma_wait3A_304 : memref<100000x128xf32, #tpu.memory_space<hbm>>) dst(%arg10 : memref<128x128xf32, #tpu.memory_space<vmem>>)
      %mul3A_305 = arith.constant 128 : i32
      %mul3A_306 = arith.muli %add3A_298, %mul3A_305 : i32
      %add3A_307 = arith.addi %mul3A_2, %mul3A_306 : i32
      %dma_start3A_308 = arith.constant 0 : i32
      %dma_start3A_309 = tpu.memref_slice %arg4[%add3A_307, %dma_start3A_308] : memref<819200x128xf32, #tpu.memory_space<hbm>> -> memref<128x128xf32, #tpu.memory_space<hbm>>
      %dma_start3A_310 = arith.constant 0 : i32
      %dma_start3A_311 = tpu.memref_slice %arg4[%add3A_307, %dma_start3A_310] : memref<819200x128xf32, #tpu.memory_space<hbm>> -> memref<128x128xf32, #tpu.memory_space<hbm>>
      tpu.enqueue_dma source(%arg10 : memref<128x128xf32, #tpu.memory_space<vmem>>) target(%dma_start3A_311 : memref<128x128xf32, #tpu.memory_space<hbm>>) target_semaphore(%arg19 : memref<!tpu.dma_semaphore, #tpu.memory_space<semaphore_mem>>)
      %get3A_312 = arith.constant 0 : index
      %get3A_313 = tpu.vector_load %arg11[%get3A_312] {strides = array<i32>} : memref<16xf32, #tpu.memory_space<vmem>>, vector<16xf32>,
      %get3A_314 = vector.shape_cast %get3A_313 : vector<16xf32> to vector<16xf32>
      %scan3A_315 = arith.constant 0 : i32
      %scan3A_316 = arith.constant 128 : i32
      %scan3A_317 = arith.addi %scan3A_315, %scan3A_316 : i32
      %scan3A_318 = arith.constant 1 : i32
      %scan3A_319 = scf.for %scan3A_340 = %scan3A_315 to %scan3A_317 step %scan3A_318 iter_args(%scan3A_341 = %get3A_314) -> (vector<16xf32>)  : i32 {
        %get3A_342 = arith.index_cast %scan3A_340 : i32 to index
        %get3A_343 = arith.constant 0 : index
        %get3A_344 = tpu.vector_load %arg10[%get3A_342, %get3A_343] {strides = array<i32>} : memref<128x128xf32, #tpu.memory_space<vmem>>, vector<1x16xf32>,
        %get3A_345 = vector.shape_cast %get3A_344 : vector<1x16xf32> to vector<16xf32>
        %add3A_346 = arith.addf %scan3A_341, %get3A_345 : vector<16xf32>
        %get3A_347 = arith.index_cast %scan3A_340 : i32 to index
        %get3A_348 = arith.constant 16 : index
        %get3A_349 = tpu.vector_load %arg10[%get3A_347, %get3A_348] {strides = array<i32>} : memref<128x128xf32, #tpu.memory_space<vmem>>, vector<1x16xf32>,
        %get3A_350 = vector.shape_cast %get3A_349 : vector<1x16xf32> to vector<16xf32>
        %add3A_351 = arith.addf %add3A_346, %get3A_350 : vector<16xf32>
        %get3A_352 = arith.index_cast %scan3A_340 : i32 to index
        %get3A_353 = arith.constant 32 : index
        %get3A_354 = tpu.vector_load %arg10[%get3A_352, %get3A_353] {strides = array<i32>} : memref<128x128xf32, #tpu.memory_space<vmem>>, vector<1x16xf32>,
        %get3A_355 = vector.shape_cast %get3A_354 : vector<1x16xf32> to vector<16xf32>
        %add3A_356 = arith.addf %add3A_351, %get3A_355 : vector<16xf32>
        %get3A_357 = arith.index_cast %scan3A_340 : i32 to index
        %get3A_358 = arith.constant 48 : index
        %get3A_359 = tpu.vector_load %arg10[%get3A_357, %get3A_358] {strides = array<i32>} : memref<128x128xf32, #tpu.memory_space<vmem>>, vector<1x16xf32>,
        %get3A_360 = vector.shape_cast %get3A_359 : vector<1x16xf32> to vector<16xf32>
        %add3A_361 = arith.addf %add3A_356, %get3A_360 : vector<16xf32>
        %get3A_362 = arith.index_cast %scan3A_340 : i32 to index
        %get3A_363 = arith.constant 64 : index
        %get3A_364 = tpu.vector_load %arg10[%get3A_362, %get3A_363] {strides = array<i32>} : memref<128x128xf32, #tpu.memory_space<vmem>>, vector<1x16xf32>,
        %get3A_365 = vector.shape_cast %get3A_364 : vector<1x16xf32> to vector<16xf32>
        %add3A_366 = arith.addf %add3A_361, %get3A_365 : vector<16xf32>
        %get3A_367 = arith.index_cast %scan3A_340 : i32 to index
        %get3A_368 = arith.constant 80 : index
        %get3A_369 = tpu.vector_load %arg10[%get3A_367, %get3A_368] {strides = array<i32>} : memref<128x128xf32, #tpu.memory_space<vmem>>, vector<1x16xf32>,
        %get3A_370 = vector.shape_cast %get3A_369 : vector<1x16xf32> to vector<16xf32>
        %add3A_371 = arith.addf %add3A_366, %get3A_370 : vector<16xf32>
        %get3A_372 = arith.index_cast %scan3A_340 : i32 to index
        %get3A_373 = arith.constant 96 : index
        %get3A_374 = tpu.vector_load %arg10[%get3A_372, %get3A_373] {strides = array<i32>} : memref<128x128xf32, #tpu.memory_space<vmem>>, vector<1x16xf32>,
        %get3A_375 = vector.shape_cast %get3A_374 : vector<1x16xf32> to vector<16xf32>
        %add3A_376 = arith.addf %add3A_371, %get3A_375 : vector<16xf32>
        %get3A_377 = arith.index_cast %scan3A_340 : i32 to index
        %get3A_378 = arith.constant 112 : index
        %get3A_379 = tpu.vector_load %arg10[%get3A_377, %get3A_378] {strides = array<i32>} : memref<128x128xf32, #tpu.memory_space<vmem>>, vector<1x16xf32>,
        %get3A_380 = vector.shape_cast %get3A_379 : vector<1x16xf32> to vector<16xf32>
        %add3A_381 = arith.addf %add3A_376, %get3A_380 : vector<16xf32>
        scf.yield %add3A_381 : vector<16xf32>
      }
      %scan3A_320 = arith.constant 128 : i32
      %swap3A_321 = arith.constant 0 : index
      %swap3A_322 = tpu.vector_load %arg11[%swap3A_321] {strides = array<i32>} : memref<16xf32, #tpu.memory_space<vmem>>, vector<16xf32>,
      %swap3A_323 = vector.shape_cast %swap3A_322 : vector<16xf32> to vector<16xf32>
      %swap3A_324 = vector.shape_cast %scan3A_319 : vector<16xf32> to vector<16xf32>
      tpu.vector_store %arg11[%swap3A_321], %swap3A_324 {strides = array<i32>} : memref<16xf32, #tpu.memory_space<vmem>>, vector<16xf32>,
      %mul3A_325 = arith.constant 128 : i32
      %mul3A_326 = arith.muli %add3A_298, %mul3A_325 : i32
      %add3A_327 = arith.addi %mul3A_2, %mul3A_326 : i32
      %dma_wait3A_328 = arith.constant 0 : i32
      %dma_wait3A_329 = tpu.memref_slice %arg4[%add3A_327, %dma_wait3A_328] : memref<819200x128xf32, #tpu.memory_space<hbm>> -> memref<128x128xf32, #tpu.memory_space<hbm>>
      %dma_wait3A_330 = arith.constant 0 : i32
      %dma_wait3A_331 = tpu.memref_slice %arg4[%add3A_327, %dma_wait3A_330] : memref<819200x128xf32, #tpu.memory_space<hbm>> -> memref<128x128xf32, #tpu.memory_space<hbm>>
      tpu.wait_dma2 semaphore(%arg19 : memref<!tpu.dma_semaphore, #tpu.memory_space<semaphore_mem>>) src(%arg10 : memref<128x128xf32, #tpu.memory_space<vmem>>) dst(%dma_wait3A_331 : memref<128x128xf32, #tpu.memory_space<hbm>>)
      %add3A_332 = arith.constant 4 : i32
      %add3A_333 = arith.addi %add3A_298, %add3A_332 : i32
      %dma_start3A_334 = arith.constant 0 : i32
      %dma_start3A_335 = tpu.memref_slice %arg6[%add3A_333, %dma_start3A_334] : memref<200x128xi32, #tpu.memory_space<vmem>> -> memref<1x128xi32, #tpu.memory_space<vmem>>
      %dma_start3A_336 = tpu.memref_squeeze %dma_start3A_335 : memref<1x128xi32, #tpu.memory_space<vmem>> -> memref<128xi32, #tpu.memory_space<vmem>>
      %dma_start3A_337 = arith.constant 0 : i32
      %dma_start3A_338 = arith.constant 0 : i32
      %dma_start3A_339 = tpu.memref_slice %arg3[%dma_start3A_337, %dma_start3A_338] : memref<100000x128xf32, #tpu.memory_space<hbm>> -> memref<100000x128xf32, #tpu.memory_space<hbm>>
      tpu.enqueue_indirect_dma source(%dma_start3A_339 : memref<100000x128xf32, #tpu.memory_space<hbm>>) target(%arg10 : memref<128x128xf32, #tpu.memory_space<vmem>>) offsets(%dma_start3A_336 : memref<128xi32, #tpu.memory_space<vmem>>) semaphore(%arg15 : memref<!tpu.dma_semaphore, #tpu.memory_space<semaphore_mem>>)
    }
    %scan3A_38 = arith.constant 49 : i32
    %dma_wait3A = arith.constant 196 : i32
    %dma_wait3A_39 = arith.constant 0 : i32
    %dma_wait3A_40 = tpu.memref_slice %arg6[%dma_wait3A, %dma_wait3A_39] : memref<200x128xi32, #tpu.memory_space<vmem>> -> memref<1x128xi32, #tpu.memory_space<vmem>>
    %dma_wait3A_41 = tpu.memref_squeeze %dma_wait3A_40 : memref<1x128xi32, #tpu.memory_space<vmem>> -> memref<128xi32, #tpu.memory_space<vmem>>
    %dma_wait3A_42 = arith.constant 0 : i32
    %dma_wait3A_43 = arith.constant 0 : i32
    %dma_wait3A_44 = tpu.memref_slice %arg3[%dma_wait3A_42, %dma_wait3A_43] : memref<100000x128xf32, #tpu.memory_space<hbm>> -> memref<100000x128xf32, #tpu.memory_space<hbm>>
    tpu.wait_indirect_dma semaphore(%arg12 : memref<!tpu.dma_semaphore, #tpu.memory_space<semaphore_mem>>) src(%dma_wait3A_44 : memref<100000x128xf32, #tpu.memory_space<hbm>>) dst(%arg7 : memref<128x128xf32, #tpu.memory_space<vmem>>)
    %add3A_45 = arith.constant 25088 : i32
    %add3A_46 = arith.addi %mul3A_2, %add3A_45 : i32
    %dma_start3A_47 = arith.constant 0 : i32
    %dma_start3A_48 = tpu.memref_slice %arg4[%add3A_46, %dma_start3A_47] : memref<819200x128xf32, #tpu.memory_space<hbm>> -> memref<128x128xf32, #tpu.memory_space<hbm>>
    %dma_start3A_49 = arith.constant 0 : i32
    %dma_start3A_50 = tpu.memref_slice %arg4[%add3A_46, %dma_start3A_49] : memref<819200x128xf32, #tpu.memory_space<hbm>> -> memref<128x128xf32, #tpu.memory_space<hbm>>
    tpu.enqueue_dma source(%arg7 : memref<128x128xf32, #tpu.memory_space<vmem>>) target(%dma_start3A_50 : memref<128x128xf32, #tpu.memory_space<hbm>>) target_semaphore(%arg16 : memref<!tpu.dma_semaphore, #tpu.memory_space<semaphore_mem>>)
    %get3A = arith.constant 0 : index
    %get3A_51 = tpu.vector_load %arg11[%get3A] {strides = array<i32>} : memref<16xf32, #tpu.memory_space<vmem>>, vector<16xf32>,
    %get3A_52 = vector.shape_cast %get3A_51 : vector<16xf32> to vector<16xf32>
    %scan3A_53 = arith.constant 0 : i32
    %scan3A_54 = arith.constant 128 : i32
    %scan3A_55 = arith.addi %scan3A_53, %scan3A_54 : i32
    %scan3A_56 = arith.constant 1 : i32
    %scan3A_57 = scf.for %scan3A_165 = %scan3A_53 to %scan3A_55 step %scan3A_56 iter_args(%scan3A_166 = %get3A_52) -> (vector<16xf32>)  : i32 {
      %get3A_167 = arith.index_cast %scan3A_165 : i32 to index
      %get3A_168 = arith.constant 0 : index
      %get3A_169 = tpu.vector_load %arg7[%get3A_167, %get3A_168] {strides = array<i32>} : memref<128x128xf32, #tpu.memory_space<vmem>>, vector<1x16xf32>,
      %get3A_170 = vector.shape_cast %get3A_169 : vector<1x16xf32> to vector<16xf32>
      %add3A_171 = arith.addf %scan3A_166, %get3A_170 : vector<16xf32>
      %get3A_172 = arith.index_cast %scan3A_165 : i32 to index
      %get3A_173 = arith.constant 16 : index
      %get3A_174 = tpu.vector_load %arg7[%get3A_172, %get3A_173] {strides = array<i32>} : memref<128x128xf32, #tpu.memory_space<vmem>>, vector<1x16xf32>,
      %get3A_175 = vector.shape_cast %get3A_174 : vector<1x16xf32> to vector<16xf32>
      %add3A_176 = arith.addf %add3A_171, %get3A_175 : vector<16xf32>
      %get3A_177 = arith.index_cast %scan3A_165 : i32 to index
      %get3A_178 = arith.constant 32 : index
      %get3A_179 = tpu.vector_load %arg7[%get3A_177, %get3A_178] {strides = array<i32>} : memref<128x128xf32, #tpu.memory_space<vmem>>, vector<1x16xf32>,
      %get3A_180 = vector.shape_cast %get3A_179 : vector<1x16xf32> to vector<16xf32>
      %add3A_181 = arith.addf %add3A_176, %get3A_180 : vector<16xf32>
      %get3A_182 = arith.index_cast %scan3A_165 : i32 to index
      %get3A_183 = arith.constant 48 : index
      %get3A_184 = tpu.vector_load %arg7[%get3A_182, %get3A_183] {strides = array<i32>} : memref<128x128xf32, #tpu.memory_space<vmem>>, vector<1x16xf32>,
      %get3A_185 = vector.shape_cast %get3A_184 : vector<1x16xf32> to vector<16xf32>
      %add3A_186 = arith.addf %add3A_181, %get3A_185 : vector<16xf32>
      %get3A_187 = arith.index_cast %scan3A_165 : i32 to index
      %get3A_188 = arith.constant 64 : index
      %get3A_189 = tpu.vector_load %arg7[%get3A_187, %get3A_188] {strides = array<i32>} : memref<128x128xf32, #tpu.memory_space<vmem>>, vector<1x16xf32>,
      %get3A_190 = vector.shape_cast %get3A_189 : vector<1x16xf32> to vector<16xf32>
      %add3A_191 = arith.addf %add3A_186, %get3A_190 : vector<16xf32>
      %get3A_192 = arith.index_cast %scan3A_165 : i32 to index
      %get3A_193 = arith.constant 80 : index
      %get3A_194 = tpu.vector_load %arg7[%get3A_192, %get3A_193] {strides = array<i32>} : memref<128x128xf32, #tpu.memory_space<vmem>>, vector<1x16xf32>,
      %get3A_195 = vector.shape_cast %get3A_194 : vector<1x16xf32> to vector<16xf32>
      %add3A_196 = arith.addf %add3A_191, %get3A_195 : vector<16xf32>
      %get3A_197 = arith.index_cast %scan3A_165 : i32 to index
      %get3A_198 = arith.constant 96 : index
      %get3A_199 = tpu.vector_load %arg7[%get3A_197, %get3A_198] {strides = array<i32>} : memref<128x128xf32, #tpu.memory_space<vmem>>, vector<1x16xf32>,
      %get3A_200 = vector.shape_cast %get3A_199 : vector<1x16xf32> to vector<16xf32>
      %add3A_201 = arith.addf %add3A_196, %get3A_200 : vector<16xf32>
      %get3A_202 = arith.index_cast %scan3A_165 : i32 to index
      %get3A_203 = arith.constant 112 : index
      %get3A_204 = tpu.vector_load %arg7[%get3A_202, %get3A_203] {strides = array<i32>} : memref<128x128xf32, #tpu.memory_space<vmem>>, vector<1x16xf32>,
      %get3A_205 = vector.shape_cast %get3A_204 : vector<1x16xf32> to vector<16xf32>
      %add3A_206 = arith.addf %add3A_201, %get3A_205 : vector<16xf32>
      scf.yield %add3A_206 : vector<16xf32>
    }
    %scan3A_58 = arith.constant 128 : i32
    %swap3A_59 = arith.constant 0 : index
    %swap3A_60 = tpu.vector_load %arg11[%swap3A_59] {strides = array<i32>} : memref<16xf32, #tpu.memory_space<vmem>>, vector<16xf32>,
    %swap3A_61 = vector.shape_cast %swap3A_60 : vector<16xf32> to vector<16xf32>
    %swap3A_62 = vector.shape_cast %scan3A_57 : vector<16xf32> to vector<16xf32>
    tpu.vector_store %arg11[%swap3A_59], %swap3A_62 {strides = array<i32>} : memref<16xf32, #tpu.memory_space<vmem>>, vector<16xf32>,
    %add3A_63 = arith.constant 25088 : i32
    %add3A_64 = arith.addi %mul3A_2, %add3A_63 : i32
    %dma_wait3A_65 = arith.constant 0 : i32
    %dma_wait3A_66 = tpu.memref_slice %arg4[%add3A_64, %dma_wait3A_65] : memref<819200x128xf32, #tpu.memory_space<hbm>> -> memref<128x128xf32, #tpu.memory_space<hbm>>
    %dma_wait3A_67 = arith.constant 0 : i32
    %dma_wait3A_68 = tpu.memref_slice %arg4[%add3A_64, %dma_wait3A_67] : memref<819200x128xf32, #tpu.memory_space<hbm>> -> memref<128x128xf32, #tpu.memory_space<hbm>>
    tpu.wait_dma2 semaphore(%arg16 : memref<!tpu.dma_semaphore, #tpu.memory_space<semaphore_mem>>) src(%arg7 : memref<128x128xf32, #tpu.memory_space<vmem>>) dst(%dma_wait3A_68 : memref<128x128xf32, #tpu.memory_space<hbm>>)
    %dma_wait3A_69 = arith.constant 197 : i32
    %dma_wait3A_70 = arith.constant 0 : i32
    %dma_wait3A_71 = tpu.memref_slice %arg6[%dma_wait3A_69, %dma_wait3A_70] : memref<200x128xi32, #tpu.memory_space<vmem>> -> memref<1x128xi32, #tpu.memory_space<vmem>>
    %dma_wait3A_72 = tpu.memref_squeeze %dma_wait3A_71 : memref<1x128xi32, #tpu.memory_space<vmem>> -> memref<128xi32, #tpu.memory_space<vmem>>
    %dma_wait3A_73 = arith.constant 0 : i32
    %dma_wait3A_74 = arith.constant 0 : i32
    %dma_wait3A_75 = tpu.memref_slice %arg3[%dma_wait3A_73, %dma_wait3A_74] : memref<100000x128xf32, #tpu.memory_space<hbm>> -> memref<100000x128xf32, #tpu.memory_space<hbm>>
    tpu.wait_indirect_dma semaphore(%arg13 : memref<!tpu.dma_semaphore, #tpu.memory_space<semaphore_mem>>) src(%dma_wait3A_75 : memref<100000x128xf32, #tpu.memory_space<hbm>>) dst(%arg8 : memref<128x128xf32, #tpu.memory_space<vmem>>)
    %add3A_76 = arith.constant 25216 : i32
    %add3A_77 = arith.addi %mul3A_2, %add3A_76 : i32
    %dma_start3A_78 = arith.constant 0 : i32
    %dma_start3A_79 = tpu.memref_slice %arg4[%add3A_77, %dma_start3A_78] : memref<819200x128xf32, #tpu.memory_space<hbm>> -> memref<128x128xf32, #tpu.memory_space<hbm>>
    %dma_start3A_80 = arith.constant 0 : i32
    %dma_start3A_81 = tpu.memref_slice %arg4[%add3A_77, %dma_start3A_80] : memref<819200x128xf32, #tpu.memory_space<hbm>> -> memref<128x128xf32, #tpu.memory_space<hbm>>
    tpu.enqueue_dma source(%arg8 : memref<128x128xf32, #tpu.memory_space<vmem>>) target(%dma_start3A_81 : memref<128x128xf32, #tpu.memory_space<hbm>>) target_semaphore(%arg17 : memref<!tpu.dma_semaphore, #tpu.memory_space<semaphore_mem>>)
    %get3A_82 = arith.constant 0 : index
    %get3A_83 = tpu.vector_load %arg11[%get3A_82] {strides = array<i32>} : memref<16xf32, #tpu.memory_space<vmem>>, vector<16xf32>,
    %get3A_84 = vector.shape_cast %get3A_83 : vector<16xf32> to vector<16xf32>
    %scan3A_85 = arith.constant 0 : i32
    %scan3A_86 = arith.constant 128 : i32
    %scan3A_87 = arith.addi %scan3A_85, %scan3A_86 : i32
    %scan3A_88 = arith.constant 1 : i32
    %scan3A_89 = scf.for %scan3A_165 = %scan3A_85 to %scan3A_87 step %scan3A_88 iter_args(%scan3A_166 = %get3A_84) -> (vector<16xf32>)  : i32 {
      %get3A_167 = arith.index_cast %scan3A_165 : i32 to index
      %get3A_168 = arith.constant 0 : index
      %get3A_169 = tpu.vector_load %arg8[%get3A_167, %get3A_168] {strides = array<i32>} : memref<128x128xf32, #tpu.memory_space<vmem>>, vector<1x16xf32>,
      %get3A_170 = vector.shape_cast %get3A_169 : vector<1x16xf32> to vector<16xf32>
      %add3A_171 = arith.addf %scan3A_166, %get3A_170 : vector<16xf32>
      %get3A_172 = arith.index_cast %scan3A_165 : i32 to index
      %get3A_173 = arith.constant 16 : index
      %get3A_174 = tpu.vector_load %arg8[%get3A_172, %get3A_173] {strides = array<i32>} : memref<128x128xf32, #tpu.memory_space<vmem>>, vector<1x16xf32>,
      %get3A_175 = vector.shape_cast %get3A_174 : vector<1x16xf32> to vector<16xf32>
      %add3A_176 = arith.addf %add3A_171, %get3A_175 : vector<16xf32>
      %get3A_177 = arith.index_cast %scan3A_165 : i32 to index
      %get3A_178 = arith.constant 32 : index
      %get3A_179 = tpu.vector_load %arg8[%get3A_177, %get3A_178] {strides = array<i32>} : memref<128x128xf32, #tpu.memory_space<vmem>>, vector<1x16xf32>,
      %get3A_180 = vector.shape_cast %get3A_179 : vector<1x16xf32> to vector<16xf32>
      %add3A_181 = arith.addf %add3A_176, %get3A_180 : vector<16xf32>
      %get3A_182 = arith.index_cast %scan3A_165 : i32 to index
      %get3A_183 = arith.constant 48 : index
      %get3A_184 = tpu.vector_load %arg8[%get3A_182, %get3A_183] {strides = array<i32>} : memref<128x128xf32, #tpu.memory_space<vmem>>, vector<1x16xf32>,
      %get3A_185 = vector.shape_cast %get3A_184 : vector<1x16xf32> to vector<16xf32>
      %add3A_186 = arith.addf %add3A_181, %get3A_185 : vector<16xf32>
      %get3A_187 = arith.index_cast %scan3A_165 : i32 to index
      %get3A_188 = arith.constant 64 : index
      %get3A_189 = tpu.vector_load %arg8[%get3A_187, %get3A_188] {strides = array<i32>} : memref<128x128xf32, #tpu.memory_space<vmem>>, vector<1x16xf32>,
      %get3A_190 = vector.shape_cast %get3A_189 : vector<1x16xf32> to vector<16xf32>
      %add3A_191 = arith.addf %add3A_186, %get3A_190 : vector<16xf32>
      %get3A_192 = arith.index_cast %scan3A_165 : i32 to index
      %get3A_193 = arith.constant 80 : index
      %get3A_194 = tpu.vector_load %arg8[%get3A_192, %get3A_193] {strides = array<i32>} : memref<128x128xf32, #tpu.memory_space<vmem>>, vector<1x16xf32>,
      %get3A_195 = vector.shape_cast %get3A_194 : vector<1x16xf32> to vector<16xf32>
      %add3A_196 = arith.addf %add3A_191, %get3A_195 : vector<16xf32>
      %get3A_197 = arith.index_cast %scan3A_165 : i32 to index
      %get3A_198 = arith.constant 96 : index
      %get3A_199 = tpu.vector_load %arg8[%get3A_197, %get3A_198] {strides = array<i32>} : memref<128x128xf32, #tpu.memory_space<vmem>>, vector<1x16xf32>,
      %get3A_200 = vector.shape_cast %get3A_199 : vector<1x16xf32> to vector<16xf32>
      %add3A_201 = arith.addf %add3A_196, %get3A_200 : vector<16xf32>
      %get3A_202 = arith.index_cast %scan3A_165 : i32 to index
      %get3A_203 = arith.constant 112 : index
      %get3A_204 = tpu.vector_load %arg8[%get3A_202, %get3A_203] {strides = array<i32>} : memref<128x128xf32, #tpu.memory_space<vmem>>, vector<1x16xf32>,
      %get3A_205 = vector.shape_cast %get3A_204 : vector<1x16xf32> to vector<16xf32>
      %add3A_206 = arith.addf %add3A_201, %get3A_205 : vector<16xf32>
      scf.yield %add3A_206 : vector<16xf32>
    }
    %scan3A_90 = arith.constant 128 : i32
    %swap3A_91 = arith.constant 0 : index
    %swap3A_92 = tpu.vector_load %arg11[%swap3A_91] {strides = array<i32>} : memref<16xf32, #tpu.memory_space<vmem>>, vector<16xf32>,
    %swap3A_93 = vector.shape_cast %swap3A_92 : vector<16xf32> to vector<16xf32>
    %swap3A_94 = vector.shape_cast %scan3A_89 : vector<16xf32> to vector<16xf32>
    tpu.vector_store %arg11[%swap3A_91], %swap3A_94 {strides = array<i32>} : memref<16xf32, #tpu.memory_space<vmem>>, vector<16xf32>,
    %add3A_95 = arith.constant 25216 : i32
    %add3A_96 = arith.addi %mul3A_2, %add3A_95 : i32
    %dma_wait3A_97 = arith.constant 0 : i32
    %dma_wait3A_98 = tpu.memref_slice %arg4[%add3A_96, %dma_wait3A_97] : memref<819200x128xf32, #tpu.memory_space<hbm>> -> memref<128x128xf32, #tpu.memory_space<hbm>>
    %dma_wait3A_99 = arith.constant 0 : i32
    %dma_wait3A_100 = tpu.memref_slice %arg4[%add3A_96, %dma_wait3A_99] : memref<819200x128xf32, #tpu.memory_space<hbm>> -> memref<128x128xf32, #tpu.memory_space<hbm>>
    tpu.wait_dma2 semaphore(%arg17 : memref<!tpu.dma_semaphore, #tpu.memory_space<semaphore_mem>>) src(%arg8 : memref<128x128xf32, #tpu.memory_space<vmem>>) dst(%dma_wait3A_100 : memref<128x128xf32, #tpu.memory_space<hbm>>)
    %dma_wait3A_101 = arith.constant 198 : i32
    %dma_wait3A_102 = arith.constant 0 : i32
    %dma_wait3A_103 = tpu.memref_slice %arg6[%dma_wait3A_101, %dma_wait3A_102] : memref<200x128xi32, #tpu.memory_space<vmem>> -> memref<1x128xi32, #tpu.memory_space<vmem>>
    %dma_wait3A_104 = tpu.memref_squeeze %dma_wait3A_103 : memref<1x128xi32, #tpu.memory_space<vmem>> -> memref<128xi32, #tpu.memory_space<vmem>>
    %dma_wait3A_105 = arith.constant 0 : i32
    %dma_wait3A_106 = arith.constant 0 : i32
    %dma_wait3A_107 = tpu.memref_slice %arg3[%dma_wait3A_105, %dma_wait3A_106] : memref<100000x128xf32, #tpu.memory_space<hbm>> -> memref<100000x128xf32, #tpu.memory_space<hbm>>
    tpu.wait_indirect_dma semaphore(%arg14 : memref<!tpu.dma_semaphore, #tpu.memory_space<semaphore_mem>>) src(%dma_wait3A_107 : memref<100000x128xf32, #tpu.memory_space<hbm>>) dst(%arg9 : memref<128x128xf32, #tpu.memory_space<vmem>>)
    %add3A_108 = arith.constant 25344 : i32
    %add3A_109 = arith.addi %mul3A_2, %add3A_108 : i32
    %dma_start3A_110 = arith.constant 0 : i32
    %dma_start3A_111 = tpu.memref_slice %arg4[%add3A_109, %dma_start3A_110] : memref<819200x128xf32, #tpu.memory_space<hbm>> -> memref<128x128xf32, #tpu.memory_space<hbm>>
    %dma_start3A_112 = arith.constant 0 : i32
    %dma_start3A_113 = tpu.memref_slice %arg4[%add3A_109, %dma_start3A_112] : memref<819200x128xf32, #tpu.memory_space<hbm>> -> memref<128x128xf32, #tpu.memory_space<hbm>>
    tpu.enqueue_dma source(%arg9 : memref<128x128xf32, #tpu.memory_space<vmem>>) target(%dma_start3A_113 : memref<128x128xf32, #tpu.memory_space<hbm>>) target_semaphore(%arg18 : memref<!tpu.dma_semaphore, #tpu.memory_space<semaphore_mem>>)
    %get3A_114 = arith.constant 0 : index
    %get3A_115 = tpu.vector_load %arg11[%get3A_114] {strides = array<i32>} : memref<16xf32, #tpu.memory_space<vmem>>, vector<16xf32>,
    %get3A_116 = vector.shape_cast %get3A_115 : vector<16xf32> to vector<16xf32>
    %scan3A_117 = arith.constant 0 : i32
    %scan3A_118 = arith.constant 128 : i32
    %scan3A_119 = arith.addi %scan3A_117, %scan3A_118 : i32
    %scan3A_120 = arith.constant 1 : i32
    %scan3A_121 = scf.for %scan3A_165 = %scan3A_117 to %scan3A_119 step %scan3A_120 iter_args(%scan3A_166 = %get3A_116) -> (vector<16xf32>)  : i32 {
      %get3A_167 = arith.index_cast %scan3A_165 : i32 to index
      %get3A_168 = arith.constant 0 : index
      %get3A_169 = tpu.vector_load %arg9[%get3A_167, %get3A_168] {strides = array<i32>} : memref<128x128xf32, #tpu.memory_space<vmem>>, vector<1x16xf32>,
      %get3A_170 = vector.shape_cast %get3A_169 : vector<1x16xf32> to vector<16xf32>
      %add3A_171 = arith.addf %scan3A_166, %get3A_170 : vector<16xf32>
      %get3A_172 = arith.index_cast %scan3A_165 : i32 to index
      %get3A_173 = arith.constant 16 : index
      %get3A_174 = tpu.vector_load %arg9[%get3A_172, %get3A_173] {strides = array<i32>} : memref<128x128xf32, #tpu.memory_space<vmem>>, vector<1x16xf32>,
      %get3A_175 = vector.shape_cast %get3A_174 : vector<1x16xf32> to vector<16xf32>
      %add3A_176 = arith.addf %add3A_171, %get3A_175 : vector<16xf32>
      %get3A_177 = arith.index_cast %scan3A_165 : i32 to index
      %get3A_178 = arith.constant 32 : index
      %get3A_179 = tpu.vector_load %arg9[%get3A_177, %get3A_178] {strides = array<i32>} : memref<128x128xf32, #tpu.memory_space<vmem>>, vector<1x16xf32>,
      %get3A_180 = vector.shape_cast %get3A_179 : vector<1x16xf32> to vector<16xf32>
      %add3A_181 = arith.addf %add3A_176, %get3A_180 : vector<16xf32>
      %get3A_182 = arith.index_cast %scan3A_165 : i32 to index
      %get3A_183 = arith.constant 48 : index
      %get3A_184 = tpu.vector_load %arg9[%get3A_182, %get3A_183] {strides = array<i32>} : memref<128x128xf32, #tpu.memory_space<vmem>>, vector<1x16xf32>,
      %get3A_185 = vector.shape_cast %get3A_184 : vector<1x16xf32> to vector<16xf32>
      %add3A_186 = arith.addf %add3A_181, %get3A_185 : vector<16xf32>
      %get3A_187 = arith.index_cast %scan3A_165 : i32 to index
      %get3A_188 = arith.constant 64 : index
      %get3A_189 = tpu.vector_load %arg9[%get3A_187, %get3A_188] {strides = array<i32>} : memref<128x128xf32, #tpu.memory_space<vmem>>, vector<1x16xf32>,
      %get3A_190 = vector.shape_cast %get3A_189 : vector<1x16xf32> to vector<16xf32>
      %add3A_191 = arith.addf %add3A_186, %get3A_190 : vector<16xf32>
      %get3A_192 = arith.index_cast %scan3A_165 : i32 to index
      %get3A_193 = arith.constant 80 : index
      %get3A_194 = tpu.vector_load %arg9[%get3A_192, %get3A_193] {strides = array<i32>} : memref<128x128xf32, #tpu.memory_space<vmem>>, vector<1x16xf32>,
      %get3A_195 = vector.shape_cast %get3A_194 : vector<1x16xf32> to vector<16xf32>
      %add3A_196 = arith.addf %add3A_191, %get3A_195 : vector<16xf32>
      %get3A_197 = arith.index_cast %scan3A_165 : i32 to index
      %get3A_198 = arith.constant 96 : index
      %get3A_199 = tpu.vector_load %arg9[%get3A_197, %get3A_198] {strides = array<i32>} : memref<128x128xf32, #tpu.memory_space<vmem>>, vector<1x16xf32>,
      %get3A_200 = vector.shape_cast %get3A_199 : vector<1x16xf32> to vector<16xf32>
      %add3A_201 = arith.addf %add3A_196, %get3A_200 : vector<16xf32>
      %get3A_202 = arith.index_cast %scan3A_165 : i32 to index
      %get3A_203 = arith.constant 112 : index
      %get3A_204 = tpu.vector_load %arg9[%get3A_202, %get3A_203] {strides = array<i32>} : memref<128x128xf32, #tpu.memory_space<vmem>>, vector<1x16xf32>,
      %get3A_205 = vector.shape_cast %get3A_204 : vector<1x16xf32> to vector<16xf32>
      %add3A_206 = arith.addf %add3A_201, %get3A_205 : vector<16xf32>
      scf.yield %add3A_206 : vector<16xf32>
    }
    %scan3A_122 = arith.constant 128 : i32
    %swap3A_123 = arith.constant 0 : index
    %swap3A_124 = tpu.vector_load %arg11[%swap3A_123] {strides = array<i32>} : memref<16xf32, #tpu.memory_space<vmem>>, vector<16xf32>,
    %swap3A_125 = vector.shape_cast %swap3A_124 : vector<16xf32> to vector<16xf32>
    %swap3A_126 = vector.shape_cast %scan3A_121 : vector<16xf32> to vector<16xf32>
    tpu.vector_store %arg11[%swap3A_123], %swap3A_126 {strides = array<i32>} : memref<16xf32, #tpu.memory_space<vmem>>, vector<16xf32>,
    %add3A_127 = arith.constant 25344 : i32
    %add3A_128 = arith.addi %mul3A_2, %add3A_127 : i32
    %dma_wait3A_129 = arith.constant 0 : i32
    %dma_wait3A_130 = tpu.memref_slice %arg4[%add3A_128, %dma_wait3A_129] : memref<819200x128xf32, #tpu.memory_space<hbm>> -> memref<128x128xf32, #tpu.memory_space<hbm>>
    %dma_wait3A_131 = arith.constant 0 : i32
    %dma_wait3A_132 = tpu.memref_slice %arg4[%add3A_128, %dma_wait3A_131] : memref<819200x128xf32, #tpu.memory_space<hbm>> -> memref<128x128xf32, #tpu.memory_space<hbm>>
    tpu.wait_dma2 semaphore(%arg18 : memref<!tpu.dma_semaphore, #tpu.memory_space<semaphore_mem>>) src(%arg9 : memref<128x128xf32, #tpu.memory_space<vmem>>) dst(%dma_wait3A_132 : memref<128x128xf32, #tpu.memory_space<hbm>>)
    %dma_wait3A_133 = arith.constant 199 : i32
    %dma_wait3A_134 = arith.constant 0 : i32
    %dma_wait3A_135 = tpu.memref_slice %arg6[%dma_wait3A_133, %dma_wait3A_134] : memref<200x128xi32, #tpu.memory_space<vmem>> -> memref<1x128xi32, #tpu.memory_space<vmem>>
    %dma_wait3A_136 = tpu.memref_squeeze %dma_wait3A_135 : memref<1x128xi32, #tpu.memory_space<vmem>> -> memref<128xi32, #tpu.memory_space<vmem>>
    %dma_wait3A_137 = arith.constant 0 : i32
    %dma_wait3A_138 = arith.constant 0 : i32
    %dma_wait3A_139 = tpu.memref_slice %arg3[%dma_wait3A_137, %dma_wait3A_138] : memref<100000x128xf32, #tpu.memory_space<hbm>> -> memref<100000x128xf32, #tpu.memory_space<hbm>>
    tpu.wait_indirect_dma semaphore(%arg15 : memref<!tpu.dma_semaphore, #tpu.memory_space<semaphore_mem>>) src(%dma_wait3A_139 : memref<100000x128xf32, #tpu.memory_space<hbm>>) dst(%arg10 : memref<128x128xf32, #tpu.memory_space<vmem>>)
    %add3A_140 = arith.constant 25472 : i32
    %add3A_141 = arith.addi %mul3A_2, %add3A_140 : i32
    %dma_start3A_142 = arith.constant 0 : i32
    %dma_start3A_143 = tpu.memref_slice %arg4[%add3A_141, %dma_start3A_142] : memref<819200x128xf32, #tpu.memory_space<hbm>> -> memref<128x128xf32, #tpu.memory_space<hbm>>
    %dma_start3A_144 = arith.constant 0 : i32
    %dma_start3A_145 = tpu.memref_slice %arg4[%add3A_141, %dma_start3A_144] : memref<819200x128xf32, #tpu.memory_space<hbm>> -> memref<128x128xf32, #tpu.memory_space<hbm>>
    tpu.enqueue_dma source(%arg10 : memref<128x128xf32, #tpu.memory_space<vmem>>) target(%dma_start3A_145 : memref<128x128xf32, #tpu.memory_space<hbm>>) target_semaphore(%arg19 : memref<!tpu.dma_semaphore, #tpu.memory_space<semaphore_mem>>)
    %get3A_146 = arith.constant 0 : index
    %get3A_147 = tpu.vector_load %arg11[%get3A_146] {strides = array<i32>} : memref<16xf32, #tpu.memory_space<vmem>>, vector<16xf32>,
    %get3A_148 = vector.shape_cast %get3A_147 : vector<16xf32> to vector<16xf32>
    %scan3A_149 = arith.constant 0 : i32
    %scan3A_150 = arith.constant 128 : i32
    %scan3A_151 = arith.addi %scan3A_149, %scan3A_150 : i32
    %scan3A_152 = arith.constant 1 : i32
    %scan3A_153 = scf.for %scan3A_165 = %scan3A_149 to %scan3A_151 step %scan3A_152 iter_args(%scan3A_166 = %get3A_148) -> (vector<16xf32>)  : i32 {
      %get3A_167 = arith.index_cast %scan3A_165 : i32 to index
      %get3A_168 = arith.constant 0 : index
      %get3A_169 = tpu.vector_load %arg10[%get3A_167, %get3A_168] {strides = array<i32>} : memref<128x128xf32, #tpu.memory_space<vmem>>, vector<1x16xf32>,
      %get3A_170 = vector.shape_cast %get3A_169 : vector<1x16xf32> to vector<16xf32>
      %add3A_171 = arith.addf %scan3A_166, %get3A_170 : vector<16xf32>
      %get3A_172 = arith.index_cast %scan3A_165 : i32 to index
      %get3A_173 = arith.constant 16 : index
      %get3A_174 = tpu.vector_load %arg10[%get3A_172, %get3A_173] {strides = array<i32>} : memref<128x128xf32, #tpu.memory_space<vmem>>, vector<1x16xf32>,
      %get3A_175 = vector.shape_cast %get3A_174 : vector<1x16xf32> to vector<16xf32>
      %add3A_176 = arith.addf %add3A_171, %get3A_175 : vector<16xf32>
      %get3A_177 = arith.index_cast %scan3A_165 : i32 to index
      %get3A_178 = arith.constant 32 : index
      %get3A_179 = tpu.vector_load %arg10[%get3A_177, %get3A_178] {strides = array<i32>} : memref<128x128xf32, #tpu.memory_space<vmem>>, vector<1x16xf32>,
      %get3A_180 = vector.shape_cast %get3A_179 : vector<1x16xf32> to vector<16xf32>
      %add3A_181 = arith.addf %add3A_176, %get3A_180 : vector<16xf32>
      %get3A_182 = arith.index_cast %scan3A_165 : i32 to index
      %get3A_183 = arith.constant 48 : index
      %get3A_184 = tpu.vector_load %arg10[%get3A_182, %get3A_183] {strides = array<i32>} : memref<128x128xf32, #tpu.memory_space<vmem>>, vector<1x16xf32>,
      %get3A_185 = vector.shape_cast %get3A_184 : vector<1x16xf32> to vector<16xf32>
      %add3A_186 = arith.addf %add3A_181, %get3A_185 : vector<16xf32>
      %get3A_187 = arith.index_cast %scan3A_165 : i32 to index
      %get3A_188 = arith.constant 64 : index
      %get3A_189 = tpu.vector_load %arg10[%get3A_187, %get3A_188] {strides = array<i32>} : memref<128x128xf32, #tpu.memory_space<vmem>>, vector<1x16xf32>,
      %get3A_190 = vector.shape_cast %get3A_189 : vector<1x16xf32> to vector<16xf32>
      %add3A_191 = arith.addf %add3A_186, %get3A_190 : vector<16xf32>
      %get3A_192 = arith.index_cast %scan3A_165 : i32 to index
      %get3A_193 = arith.constant 80 : index
      %get3A_194 = tpu.vector_load %arg10[%get3A_192, %get3A_193] {strides = array<i32>} : memref<128x128xf32, #tpu.memory_space<vmem>>, vector<1x16xf32>,
      %get3A_195 = vector.shape_cast %get3A_194 : vector<1x16xf32> to vector<16xf32>
      %add3A_196 = arith.addf %add3A_191, %get3A_195 : vector<16xf32>
      %get3A_197 = arith.index_cast %scan3A_165 : i32 to index
      %get3A_198 = arith.constant 96 : index
      %get3A_199 = tpu.vector_load %arg10[%get3A_197, %get3A_198] {strides = array<i32>} : memref<128x128xf32, #tpu.memory_space<vmem>>, vector<1x16xf32>,
      %get3A_200 = vector.shape_cast %get3A_199 : vector<1x16xf32> to vector<16xf32>
      %add3A_201 = arith.addf %add3A_196, %get3A_200 : vector<16xf32>
      %get3A_202 = arith.index_cast %scan3A_165 : i32 to index
      %get3A_203 = arith.constant 112 : index
      %get3A_204 = tpu.vector_load %arg10[%get3A_202, %get3A_203] {strides = array<i32>} : memref<128x128xf32, #tpu.memory_space<vmem>>, vector<1x16xf32>,
      %get3A_205 = vector.shape_cast %get3A_204 : vector<1x16xf32> to vector<16xf32>
      %add3A_206 = arith.addf %add3A_201, %get3A_205 : vector<16xf32>
      scf.yield %add3A_206 : vector<16xf32>
    }
    %scan3A_154 = arith.constant 128 : i32
    %swap3A_155 = arith.constant 0 : index
    %swap3A_156 = tpu.vector_load %arg11[%swap3A_155] {strides = array<i32>} : memref<16xf32, #tpu.memory_space<vmem>>, vector<16xf32>,
    %swap3A_157 = vector.shape_cast %swap3A_156 : vector<16xf32> to vector<16xf32>
    %swap3A_158 = vector.shape_cast %scan3A_153 : vector<16xf32> to vector<16xf32>
    tpu.vector_store %arg11[%swap3A_155], %swap3A_158 {strides = array<i32>} : memref<16xf32, #tpu.memory_space<vmem>>, vector<16xf32>,
    %add3A_159 = arith.constant 25472 : i32
    %add3A_160 = arith.addi %mul3A_2, %add3A_159 : i32
    %dma_wait3A_161 = arith.constant 0 : i32
    %dma_wait3A_162 = tpu.memref_slice %arg4[%add3A_160, %dma_wait3A_161] : memref<819200x128xf32, #tpu.memory_space<hbm>> -> memref<128x128xf32, #tpu.memory_space<hbm>>
    %dma_wait3A_163 = arith.constant 0 : i32
    %dma_wait3A_164 = tpu.memref_slice %arg4[%add3A_160, %dma_wait3A_163] : memref<819200x128xf32, #tpu.memory_space<hbm>> -> memref<128x128xf32, #tpu.memory_space<hbm>>
    tpu.wait_dma2 semaphore(%arg19 : memref<!tpu.dma_semaphore, #tpu.memory_space<semaphore_mem>>) src(%arg10 : memref<128x128xf32, #tpu.memory_space<vmem>>) dst(%dma_wait3A_164 : memref<128x128xf32, #tpu.memory_space<hbm>>)
    "tpu.region"() ({
      %run_scoped3A = tpu.sem_alloc : memref<!tpu.dma_semaphore, #tpu.memory_space<semaphore_mem>>
      %dma_start3A_165 = arith.constant 0 : i32
      %dma_start3A_166 = tpu.memref_slice %arg5[%add3A, %dma_start3A_165] : memref<32x16xf32, #tpu.memory_space<hbm>> -> memref<1x16xf32, #tpu.memory_space<hbm>>
      %dma_start3A_167 = tpu.memref_squeeze %dma_start3A_166 : memref<1x16xf32, #tpu.memory_space<hbm>> -> memref<16xf32, #tpu.memory_space<hbm>>
      %dma_start3A_168 = arith.constant 0 : i32
      %dma_start3A_169 = tpu.memref_slice %arg5[%add3A, %dma_start3A_168] : memref<32x16xf32, #tpu.memory_space<hbm>> -> memref<1x16xf32, #tpu.memory_space<hbm>>
      %dma_start3A_170 = tpu.memref_squeeze %dma_start3A_169 : memref<1x16xf32, #tpu.memory_space<hbm>> -> memref<16xf32, #tpu.memory_space<hbm>>
      tpu.enqueue_dma source(%arg11 : memref<16xf32, #tpu.memory_space<vmem>>) target(%dma_start3A_170 : memref<16xf32, #tpu.memory_space<hbm>>) target_semaphore(%run_scoped3A : memref<!tpu.dma_semaphore, #tpu.memory_space<semaphore_mem>>)
      %dma_wait3A_171 = arith.constant 0 : i32
      %dma_wait3A_172 = tpu.memref_slice %arg5[%add3A, %dma_wait3A_171] : memref<32x16xf32, #tpu.memory_space<hbm>> -> memref<1x16xf32, #tpu.memory_space<hbm>>
      %dma_wait3A_173 = tpu.memref_squeeze %dma_wait3A_172 : memref<1x16xf32, #tpu.memory_space<hbm>> -> memref<16xf32, #tpu.memory_space<hbm>>
      %dma_wait3A_174 = arith.constant 0 : i32
      %dma_wait3A_175 = tpu.memref_slice %arg5[%add3A, %dma_wait3A_174] : memref<32x16xf32, #tpu.memory_space<hbm>> -> memref<1x16xf32, #tpu.memory_space<hbm>>
      %dma_wait3A_176 = tpu.memref_squeeze %dma_wait3A_175 : memref<1x16xf32, #tpu.memory_space<hbm>> -> memref<16xf32, #tpu.memory_space<hbm>>
      tpu.wait_dma2 semaphore(%run_scoped3A : memref<!tpu.dma_semaphore, #tpu.memory_space<semaphore_mem>>) src(%arg11 : memref<16xf32, #tpu.memory_space<vmem>>) dst(%dma_wait3A_176 : memref<16xf32, #tpu.memory_space<hbm>>)
      tpu.yield
    }) : () -> ()
    return
  }
}

module attributes {stable_mosaic.version = 14 : i64} {
  func.func @body(%arg0: i32, %arg1: memref<1000x128xf32, #tpu.memory_space<vmem>>, %arg2: memref<128x128xf32, #tpu.memory_space<vmem>>, %arg3: memref<1000x128xf32, #tpu.memory_space<vmem>>) attributes {dimension_semantics = [#tpu.dimension_semantics<arbitrary>], iteration_bounds = array<i64: 100>, scalar_prefetch = 0 : i64, scratch_operands = 0 : i64, tpu.core_type = #tpu.core_type<tc>, window_params = [{transform_indices = @transform_0, window_bounds = array<i64: 1000, 128>}, {pipeline_mode = #tpu.pipeline_mode<synchronous>, transform_indices = @transform_1, window_bounds = array<i64: 128, 128>}, {transform_indices = @transform_2, window_bounds = array<i64: 1000, 128>}]} {
    %get3A = arith.constant 0 : index
    %get3A_0 = arith.constant 0 : index
    %get3A_1 = vector.load %arg1[%get3A, %get3A_0] : memref<1000x128xf32, #tpu.memory_space<vmem>>, vector<1000x128xf32>
    %get3A_2 = arith.constant 0 : index
    %get3A_3 = arith.constant 0 : index
    %get3A_4 = vector.load %arg2[%get3A_2, %get3A_3] : memref<128x128xf32, #tpu.memory_space<vmem>>, vector<128x128xf32>
    %dot_general3A = arith.constant dense<0.000000e+00> : vector<1000x128xf32>
    %dot_general3A_5 = tpu.matmul %get3A_1, %get3A_4, %dot_general3A {dimension_numbers = #tpu.dot_dimension_numbers<[1], [1], [0], [0], [0, 0, 1, 0], [], []>, transpose_lhs_hint = false} : vector<1000x128xf32>, vector<128x128xf32>, vector<1000x128xf32> -> vector<1000x128xf32>
    %swap3A = arith.constant 0 : index
    %swap3A_6 = arith.constant 0 : index
    %swap3A_7 = vector.load %arg3[%swap3A, %swap3A_6] : memref<1000x128xf32, #tpu.memory_space<vmem>>, vector<1000x128xf32>
    tpu.vector_store %arg3[%swap3A, %swap3A_6], %dot_general3A_5 {strides = array<i32>} : memref<1000x128xf32, #tpu.memory_space<vmem>>, vector<1000x128xf32>,
    return
  }
  func.func @transform_0(%arg0: i32) -> (i32, i32) {
    %c0_i32 = arith.constant 0 : i32
    %c0_i32_0 = arith.constant 0 : i32
    return %arg0, %c0_i32 : i32, i32
  }
  func.func @transform_1(%arg0: i32) -> (i32, i32) {
    %c0_i32 = arith.constant 0 : i32
    %c0_i32_0 = arith.constant 0 : i32
    %c0_i32_1 = arith.constant 0 : i32
    return %c0_i32, %c0_i32_0 : i32, i32
  }
  func.func @transform_2(%arg0: i32) -> (i32, i32) {
    %c0_i32 = arith.constant 0 : i32
    %c0_i32_0 = arith.constant 0 : i32
    return %arg0, %c0_i32 : i32, i32
  }
}

</mosaic_0001>

<sc_bundles>
// kernel: kernel.4.cloned.1.call-start
scs
__scs_entry_jumppad:
0x0: {  	(pc) =	sbr.rel $0x88, $3  }
0x1: {  	(tag) =	ssettag $0x0;
	lr =	simm.s32 $0x1  }
0x2: {  	[smem:$0x3F9E] =	sst lr;
	_ =	strace $0xD0000000  }
0x3: {  	_ = 	snop  }
0x4: {  	_ = 	snop  }
0x5: {  	_ = 	snop  }
0x6: {  	_ = 	snop  }
0x7: {  	_ = 	snop  }
__scs_overlays_trampoline_lowered:
0x8: {  	[smem:$0x3FAD] =	sst s0  }
0x9: {  	[smem:$0x3FAE] =	sst s1  }
0xa: {  	[smem:$0x3FAF] =	sst s2  }
0xb: {  	[smem:$0x3FB0] =	sst s3  }
0xc: {  	[smem:$0x3FB1] =	sst s4  }
0xd: {  	[smem:$0x3FB2] =	sst s5  }
0xe: {  	[smem:$0x3FB3] =	sst s6  }
0xf: {  	[smem:$0x3FB4] =	sst s7  }
0x10: {  	[smem:$0x3FB5] =	sst s8  }
0x11: {  	[smem:$0x3FB6] =	sst s9;
	s0 =	simm.s32 @!p0 $0x0  }
0x12: {  	s1 =	sld [smem:$0x3F9C];
	s0 =	simm.s32 @p0 $0x1  }
0x13: {  	[smem:$0x3FB7] =	sst s0;
	s0 =	simm.s32 @!p1 $0x0  }
0x14: {  	s2 =	sld [smem:$0x3F9B];
	s0 =	simm.s32 @p1 $0x1  }
0x15: {  	[smem:$0x3FB8] =	sst s0;
	s0 =	simm.s32 @!p2 $0x0  }
0x16: {  	s3 =	sld [smem:$0x3FDB];
	s0 =	simm.s32 @p2 $0x1  }
0x17: {  	s4 =	simm.s32 $0x1BF5;
	[smem:$0x3FBA] =	sst s0  }
0x18: {  	s0 =	sld [smem:$0x3F9D];
	_ =	swait.ge [sflag:s4], $0x0  }
0x19: {  	s7 =	sld [smem:$0x3F9E]  }
0x1a: {  	s8 =	sadd.s32 $0xFFFFE003, lr  }
0x1b: {  	s9 =	sadd.s32 $0xFFFFFEF7, lr;
	s5 =	simm.s32 $0xFFFFFFFF;
	p2 =	slt.u32 s8, $0xFFFFF086  }
0x1c: {  	p1 =	slt.u32 s9, $0xF7A;
	s5 =	simm.s32 @!p2 $0x0  }
0x1d: {  	s5 =	simm.s32 @p1 $0x1;
	p0 =	seq.s32 s7, s2  }
0x1e: {  	s7 =	smul.u32 @!p0 $0xF7A, s2;
	p2 =	seq.s32 @!p0 s5, $0x0  }
0x1f: {  	s9 =	smul.u32 $0xF7A, s1;
	s8 =	simm.s32 @!p0 $0x1BF5;
	p2 =	por !p2, p0  }
0x20: {  	[sflag:s8] =	ssyncset.s32 @!p0 $0xFFFFF086;
	s6 =	sadd.s32 @!p0 s3, s7;
	s7 =	simm.s32 @!p0 $0x108  }
0x21: {  	s3 =	sadd.s32 s3, s9;
	s6 =	sadd.s32 @!p0 $0x88, s6;
	s7 =	simm.s32 @p2 $0x1082  }
0x22: {  	[simem:s7], [sflag:s8] =	dma.local @!p0 [hbm:s6], $0xF7A  }
0x23: {  	s9 =	sor.u32 $0xD0000000, s2;
	s6 =	simm.s32 $0x108;
	_ =	swait.ge @!p0 [sflag:s8], $0x0  }
0x24: {  	s3 =	sadd.s32 $0x88, s3;
	s6 =	simm.s32 @!p1 $0x1082;
	[sflag:s4] =	ssyncset.s32 $0xFFFFF086  }
0x25: {  	[simem:s6], [sflag:s4] =	dma.local [hbm:s3], $0xF7A  }
0x26: {  	[smem:$0x3F9E] =	sst s1;
	(tag) =	ssettag s2;
	_ =	strace s9  }
0x27: {  	s1 =	sld [smem:$0x3FAE]  }
0x28: {  	s2 =	sld [smem:$0x3FAF]  }
0x29: {  	s4 =	sld [smem:$0x3FB1]  }
0x2a: {  	p0 =	seq.s32 s5, $0x0;
	s5 =	sld [smem:$0x3FB2]  }
0x2b: {  	s6 =	sld [smem:$0x3FB3]  }
0x2c: {  	s7 =	sld [smem:$0x3FB4]  }
0x2d: {  	s3 =	simm.s32 $0x108;
	s8 =	sld [smem:$0x3FB5]  }
0x2e: {  	s3 =	simm.s32 @!p0 $0x1082;
	s9 =	sld [smem:$0x3FB6]  }
0x2f: {  	lr =	sadd.s32 s0, s3;
	s0 =	sld [smem:$0x3FAD]  }
0x30: {  	s3 =	sld [smem:$0x3FB0]  }
0x31: {  	[smem:$0x3FB9] =	sst s10  }
0x32: {  	s10 =	sld [smem:$0x3FB7];
	_ =	sdelay $0x3  }
0x33: {  	p0 =	seq.s32 s10, $0x1;
	s10 =	sld [smem:$0x3FB9];
	_ =	sdelay $0x3  }
0x34: {  	[smem:$0x3FB9] =	sst s10  }
0x35: {  	s10 =	sld [smem:$0x3FB8];
	_ =	sdelay $0x3  }
0x36: {  	p1 =	seq.s32 s10, $0x1;
	s10 =	sld [smem:$0x3FB9];
	_ =	sdelay $0x3  }
0x37: {  	[smem:$0x3FB9] =	sst s10  }
0x38: {  	s10 =	sld [smem:$0x3FBA]  }
0x39: {  	_ = 	snop;
	(pc) =	sbr.ind lr, $3  }
0x3a: {  	_ = 	snop  }
0x3b: {  	_ = 	snop  }
0x3c: {  	p2 =	seq.s32 s10, $0x1;
	s10 =	sld [smem:$0x3FB9]  }
0x3d: {  	_ =	shalt  }
0x3e: {  	_ =	shalt  }
0x3f: {  	_ =	shalt  }
0x40: {  	_ =	shalt  }
0x41: {  	_ =	shalt  }
0x42: {  	_ =	shalt  }
0x43: {  	_ =	shalt  }
0x44: {  	_ =	shalt  }
0x45: {  	_ =	shalt  }
0x46: {  	_ =	shalt  }
0x47: {  	_ =	shalt  }
0x48: {  	_ =	shalt  }
0x49: {  	_ =	shalt  }
0x4a: {  	_ =	shalt  }
0x4b: {  	_ =	shalt  }
0x4c: {  	_ =	shalt  }
0x4d: {  	_ =	shalt  }
0x4e: {  	_ =	shalt  }
0x4f: {  	_ =	shalt  }
0x50: {  	_ =	shalt  }
0x51: {  	_ =	shalt  }
0x52: {  	_ =	shalt  }
0x53: {  	_ =	shalt  }
0x54: {  	_ =	shalt  }
0x55: {  	_ =	shalt  }
0x56: {  	_ =	shalt  }
0x57: {  	_ =	shalt  }
0x58: {  	_ =	shalt  }
0x59: {  	_ =	shalt  }
0x5a: {  	_ =	shalt  }
0x5b: {  	_ =	shalt  }
0x5c: {  	_ =	shalt  }
0x5d: {  	_ =	shalt  }
0x5e: {  	_ =	shalt  }
0x5f: {  	_ =	shalt  }
0x60: {  	_ =	shalt  }
0x61: {  	_ =	shalt  }
0x62: {  	_ =	shalt  }
0x63: {  	_ =	shalt  }
0x64: {  	_ =	shalt  }
0x65: {  	_ =	shalt  }
0x66: {  	_ =	shalt  }
0x67: {  	_ =	shalt  }
0x68: {  	_ =	shalt  }
0x69: {  	_ =	shalt  }
0x6a: {  	_ =	shalt  }
0x6b: {  	_ =	shalt  }
0x6c: {  	_ =	shalt  }
0x6d: {  	_ =	shalt  }
0x6e: {  	_ =	shalt  }
0x6f: {  	_ =	shalt  }
0x70: {  	_ =	shalt  }
0x71: {  	_ =	shalt  }
0x72: {  	_ =	shalt  }
0x73: {  	_ =	shalt  }
0x74: {  	_ =	shalt  }
0x75: {  	_ =	shalt  }
0x76: {  	_ =	shalt  }
0x77: {  	_ =	shalt  }
0x78: {  	_ =	shalt  }
0x79: {  	_ =	shalt  }
0x7a: {  	_ =	shalt  }
0x7b: {  	_ =	shalt  }
0x7c: {  	_ =	shalt  }
0x7d: {  	_ =	shalt  }
0x7e: {  	_ =	shalt  }
0x7f: {  	_ =	shalt  }
0x80: {  	_ =	shalt  }
0x81: {  	_ =	shalt  }
0x82: {  	_ =	shalt  }
0x83: {  	_ =	shalt  }
0x84: {  	_ =	shalt  }
0x85: {  	_ =	shalt  }
0x86: {  	_ =	shalt  }
0x87: {  	_ =	shalt  }
.Lfunc_end0:
.L_simem_size_0:
called_computation_lowered:
.L_overlay_start_0:
0x88: {  	s2 =	sld [smem:$0x3FD9]  }
0x89: {  	s3 =	sld [smem:$0x3FFE];
	_ =	sdelay $0x1  }
0x8a: {  	s1 =	srdreg.scid  }
0x8b: {  	s0 =	sand.u32 $0x1, s1  }
0x8c: {  	s14 =	sshll.u32 s0, $0xA;
	s2 =	sadd.s32 s3, s2  }
0x8d: {  	s2 =	sadd.s32 s2, s14  }
0x8e: {  	[smem:$0x3FC5] =	sst s2  }
0x8f: {  	_ = 	snop  }
0x90: {  	s2 =	sld [smem:$0x3FD0];
	_ =	sdelay $0x2  }
0x91: {  	s15 =	simm.s32 $0xA;
	s4 =	simm.s32 $0x10  }
0x92: {  	[smem:s4], [sflag:s15] =	dma.local [hbm:s2], $0x1  }
0x93: {  	_ =	swait.eq [sflag:s15], $0x1  }
0x94: {  	[sflag:s15] =	ssyncset.done $0x0  }
0x95: {  	[sflag:s15] =	ssyncadd.s32 $0xFFFFFFFF  }
0x96: {  	s16 =	sld [smem:$0x10];
	(tm) =	ssettm $0x1  }
0x97: {  	s17 =	sld [smem:$0x3FFB];
	_ =	sdelay $0x3  }
0x98: {  	_ =	strace s17  }
0x99: {  	s3 =	sld [smem:$0x3FFC];
	_ =	sdelay $0x3  }
0x9a: {  	_ =	strace s3  }
0x9b: {  	s3 =	sld [smem:$0x3FFD];
	_ =	sdelay $0x3  }
0x9c: {  	_ =	strace s3  }
0x9d: {  	_ =	strace $0x8FFFFFFF  }
0x9e: {  	s18 =	sld [smem:$0x3FDB];
	_ =	sdelay $0x1  }
0x9f: {  	s19 =	simm.s32 $_scs_section_size  }
0xa0: {  	s5 =	simm.s32 $_size__tile_overlayer_lowered;
	s6 =	simm.s32 $_tile_overlayer_lowered  }
0xa1: {  	s22 =	simm.s32 $0x1BFF;
	s21 =	sshll.u32 s6, $0x1;
	s3 =	sadd.s32 s19, s18  }
0xa2: {  	s7 =	simm.s32 $0x0;
	s20 =	sshll.u32 s5, $0x1;
	s5 =	sadd.s32 s21, s3  }
0xa3: {  	[timem:s7], [sflag:s22] =	dma.local [hbm:s5], s20  }
0xa4: {  	_ =	swait.ge [sflag:s22], s20  }
0xa5: {  	s4 =	ssub.s32 $0x0, s20;
	[sflag:s22] =	ssyncset.done $0x0  }
0xa6: {  	[sflag:s22] =	ssyncadd.s32 s4;
	_ =	sdelay $0x1  }
0xa7: {  	s23 =	simm.s32 $0x1B8B  }
0xa8: {  	_ =	swait.ge [sflag:s23], $0x1  }
0xa9: {  	[sflag:s23] =	ssyncset.done $0x0  }
0xaa: {  	s25 =	simm.s32 $0x1B8E;
	s24 =	sld [smem:$0x3FFE];
	[sflag:s23] =	ssyncadd.s32 $0xFFFFFFFF  }
0xab: {  	s26 =	simm.s32 $execute0_lowered;
	[smem:$0x3FD2] =	sst s25  }
0xac: {  	s5 =	sshll.u32 s26, $0x1;
	_ =	strace $0x80000046;
	[dreg:$0x1] =	wrdreg $0xFFFFFFFF  }
0xad: {  	s28 =	simm.s32 $_size_execute0_lowered;
	s3 =	sadd.s32 s3, s5;
	[dreg:$0x0] =	wrdreg $0x0  }
0xae: {  	s5 =	sshll.u32 s28, $0x1;
	[dreg:$0x2] =	wrdreg s3  }
0xaf: {  	[dreg:$0x3] =	wrdreg s5  }
0xb0: {  	[dreg:$0x4] =	wrdreg $0xC0  }
0xb1: {  	_ =	task [dreg:s7], $0x5FFFF  }
0xb2: {  	[dreg:$0x1] =	wrdreg $0xFFFFFFFF  }
0xb3: {  	[dreg:$0x0] =	wrdreg $0x60  }
0xb4: {  	[dreg:$0x2] =	wrdreg s24  }
0xb5: {  	[dreg:$0x3] =	wrdreg s16  }
0xb6: {  	[dreg:$0x4] =	wrdreg $0x9  }
0xb7: {  	_ =	task.clear_ibuf [dreg:s7], $0x5FFFF;
	_ =	strace $0x90000046  }
0xb8: {  	s29 =	simm.s32 $0x9;
	_ =	strace $0x80000048  }
0xb9: {  	_ =	swait.ge [sflag:s29], $0x1  }
0xba: {  	[sflag:s29] =	ssyncadd.s32 $0xFFFFFFFF  }
0xbb: {  	_ =	strace $0x90000048  }
0xbc: {  	_ =	sfence  }
0xbd: {  	s30 =	sld [smem:$0x0];
	_ =	sdelay $0x2  }
0xbe: {  	s31 =	sshll.u32 s1, $0xD;
	s1 =	sshrl.u32 s1, $0x2  }
0xbf: {  	s3 =	sand.u32 $0x4000, s31;
	s1 =	sadd.s32 s1, s30  }
0xc0: {  	s0 =	sor.u32 s3, s0;
	s1 =	sshll.u32 s1, $0x11  }
0xc1: {  	s0 =	sor.u32 s1, s0  }
0xc2: {  	s0 =	sadd.s32 $0x8F2B, s0  }
0xc3: {  	[sflag:s0] =	ssyncadd.remote.s32 $0x1  }
0xc4: {  	_ =	sfence.sel $0xFFFF  }
0xc5: {  	[dreg:$0x0] =	wrdreg $0xFFFFFFFF;
	(pc) =	sbr.abs _section_cstart, $3  }
0xc6: {  	[dreg:$0x1] =	wrdreg $0xFFFFFFFF  }
0xc7: {  	_ =	task.clear_ibuf [dreg:s7], $0x2FFFF;
	_ =	strace $0x9FFFFFFF  }
0xc8: {  	(tm) =	ssettm $0x7FFFFFFF  }
0xc9: {  	_ =	shalt  }
tec
execute0_lowered:
.L_overlay_start_1:
0x0: {  	(tag) =	ssettag $0x1  }
0x1: {  	s0 =	srdreg.scid;
	s6 =	rddreg [dreg:$0x0]  }
0x2: {  	s1 =	stileid.u32;
	s2 =	rddreg [dreg:$0x1];
	s3 =	simm.s32 $0x0  }
0x3: {  	s16 =	simm.s32 $0x9;
	s17 =	simm.s32 $0x80;
	s18 =	simm.s32 $0x6400  }
0x4: {  	s19 =	simm.s32 $0xA400;
	s21 =	simm.s32 $0xE400;
	s28 =	simm.s32 $0x6  }
0x5: {  	s29 =	simm.s32 $0x3;
	s30 =	simm.s32 $0x7;
	s31 =	simm.s32 $0x4  }
0x6: {  	s20 =	simm.s32 $0x0;
	s0 =	sand.u32 $0x1, s0;
	s1 =	sshll.u32 s1, $0x1  }
0x7: {  	[smem:$0x7FF] =	sst s3;
	s5 =	sadd.s32 $0x19600, s6;
	s1 =	sor.u32 s0, s1  }
0x8: {  	s0 =	ssub.s32 $0x2, s0;
	s9 =	smul.u32 $0x6400, s1;
	s8 =	sshll.u32 s1, $0x4  }
0x9: {  	_ =	strace $0x80000047;
	s10 =	sshrl.u32 s0, $0x1;
	s22 =	sadd.s32 s8, s6  }
0xa: {  	s0 =	ssub.s32 s0, s10;
	s4 =	sshrl.u32 s9, $0x3;
	s8 =	sor.u32 $0x100, s9  }
0xb: {  	s14 =	sadd.s32 $0x1A0000, s22;
	s7 =	sadd.s32 s4, s6;
	s4 =	smul.u32 $0x320000, s1  }
0xc: {  	s15 =	smax.u32 s0, $0x1;
	s1 =	simm.s32 $0x8;
	s23 =	sadd.s32 $0x600, s7  }
0xd: {  	s7 =	sor.u32 $0x80, s9;
	s9 =	sor.u32 $0x180, s9;
	s24 =	sshrl.u32 s4, $0x3  }
0xe: {  	[dreg:$0x3] =	wrdreg s23;
	s23 =	simm.s32 $0x12400;
	s6 =	sadd.s32 s2, s24  }
0xf: {  	s24 =	simm.s32 $0x1;
	s25 =	sadd.s32 $0x62000, s6;
	s26 =	sadd.s32 $0x62800, s6  }
0x10: {  	s12 =	sadd.s32 $0x63000, s6;
	s13 =	sadd.s32 $0x63800, s6;
	[dreg:$0x4] =	wrdreg s25  }
0x11: {  	v0 =	vimm.f32 $0.0e+00;
	[dreg:$0x5] =	wrdreg s26;
	s25 =	simm.s32 $0x5;
	s26 =	simm.s32 $0x2  }
.LBB2_1:
0x12: {  	s0 =	rddreg [dreg:$0x3]  }
0x13: {  	[tilespmem:s3], [sflag:$0x9] =	stream.linear.gather [hbm4b:s0+s3], $0x6400, $0x38;
	[tilespmem:$0x16480] =	vst v63  }
0x14: {  	_ =	swait.ge [sflag:s16], $0x6400  }
0x15: {  	[sflag:s16] =	ssyncset.done $0x0  }
0x16: {  	[sflag:s16] =	ssyncadd.s32 $0xFFFF9C00  }
0x17: {  	[tilespmem:$0x16400] =	vst v0  }
0x18: {  	[tilespmem:s18], [sflag:$0x1] =	stream.indirect.gather [hbm4b:s5+s17], $0x80, s3, s17, $0xb8;
	[tilespmem:$0x16480] =	vst v63  }
0x19: {  	_ = 	snop  }
0x1a: {  	[tilespmem:s19], [sflag:$0x2] =	stream.indirect.gather [hbm4b:s5+s17], $0x80, s17, s17, $0xb8;
	[tilespmem:$0x16480] =	vst v63  }
0x1b: {  	s11 =	simm.s32 $0x100  }
0x1c: {  	[tilespmem:s21], [sflag:$0x3] =	stream.indirect.gather [hbm4b:s5+s17], $0x80, s11, s17, $0xb8;
	[tilespmem:$0x16480] =	vst v63  }
0x1d: {  	s22 =	simm.s32 $0x180  }
0x1e: {  	[tilespmem:s23], [sflag:$0x4] =	stream.indirect.gather [hbm4b:s5+s17], $0x80, s22, s17, $0xb8;
	[tilespmem:$0x16480] =	vst v63  }
0x1f: {  	s22 =	simm.s32 $0x0  }
.LBB2_2:
0x20: {  	s0 =	sshll.u32 s22, $0x10  }
0x21: {  	_ =	swait.ge [sflag:s24], $0x4000;
	s0 =	sadd.s32 s4, s0  }
0x22: {  	[sflag:s24] =	ssyncset.done $0x0;
	s0 =	sshrl.u32 s0, $0x3  }
0x23: {  	s6 =	simm.s32 $0x0;
	[sflag:s24] =	ssyncadd.s32 $0xFFFFC000;
	s0 =	sadd.s32 s2, s0  }
0x24: {  	[hbm4b:s0+s6] =	stream.linear.scatter [tilespmem:s18], [sflag:$0x5], $0x4000, $0x38;
	[tilespmem:$0x16480] =	vst v63  }
0x25: {  	s11 =	simm.s32 $0x0;
	v1 =	vld [tilespmem:$0x16400]  }
0x26: {  	v2 =	vld [tilespmem:s11+$0x6400];
	_ =	sdelay $0x1  }
0x27: {  	v3 =	vld [tilespmem:s11+$0x6410];
	_ =	sdelay $0x1  }
0x28: {  	v4 =	vld [tilespmem:s11+$0x6420]  }
0x29: {  	v1 =	vadd.f32 v2, v1  }
0x2a: {  	v2 =	vld [tilespmem:s11+$0x6430]  }
0x2b: {  	v1 =	vadd.f32 v3, v1  }
0x2c: {  	v3 =	vld [tilespmem:s11+$0x6440]  }
0x2d: {  	v1 =	vadd.f32 v4, v1  }
0x2e: {  	v4 =	vld [tilespmem:s11+$0x6450]  }
0x2f: {  	v1 =	vadd.f32 v2, v1  }
0x30: {  	v2 =	vld [tilespmem:s11+$0x6460]  }
0x31: {  	v3 =	vadd.f32 v3, v1  }
0x32: {  	v1 =	vld [tilespmem:s11+$0x6470]  }
0x33: {  	s0 =	simm.s32 $0x80;
	s6 =	simm.s32 $0x400;
	v3 =	vadd.f32 v4, v3  }
.LBB2_3:
0x34: {  	p0 =	sne.s32 s6, $0xFE00;
	v4 =	vld [tilespmem:s0+$0x6400]  }
0x35: {  	v2 =	vadd.f32 v2, v3  }
0x36: {  	v3 =	vld [tilespmem:s0+$0x6410]  }
0x37: {  	v1 =	vadd.f32 v1, v2  }
0x38: {  	v2 =	vld [tilespmem:s0+$0x6420]  }
0x39: {  	v1 =	vadd.f32 v4, v1  }
0x3a: {  	v4 =	vld [tilespmem:s0+$0x6430]  }
0x3b: {  	v1 =	vadd.f32 v3, v1  }
0x3c: {  	v3 =	vld [tilespmem:s0+$0x6440]  }
0x3d: {  	v1 =	vadd.f32 v2, v1  }
0x3e: {  	v5 =	vld [tilespmem:s0+$0x6450]  }
.Ltmp0:
0x3f: {  	v1 =	vadd.f32 v4, v1;
	(pc) =	sbr.rel @p0 .LBB2_3-.Ltmp0, $4  }
0x40: {  	v2 =	vld [tilespmem:s0+$0x6460]  }
0x41: {  	v3 =	vadd.f32 v3, v1  }
0x42: {  	v1 =	vld [tilespmem:s0+$0x6470]  }
0x43: {  	s0 =	sshra.s32 s6, $0x2;
	s6 =	sadd.s32 $0x200, s6;
	v3 =	vadd.f32 v5, v3  }
0x44: {  	v4 =	vld [tilespmem:s0+$0x6400]  }
0x45: {  	v2 =	vadd.f32 v2, v3  }
0x46: {  	v3 =	vld [tilespmem:s0+$0x6410]  }
0x47: {  	v1 =	vadd.f32 v1, v2  }
0x48: {  	v2 =	vld [tilespmem:s0+$0x6420]  }
0x49: {  	v1 =	vadd.f32 v4, v1  }
0x4a: {  	v4 =	vld [tilespmem:s0+$0x6430]  }
0x4b: {  	v1 =	vadd.f32 v3, v1  }
0x4c: {  	v3 =	vld [tilespmem:s0+$0x6440]  }
0x4d: {  	v1 =	vadd.f32 v2, v1  }
0x4e: {  	v2 =	vld [tilespmem:s0+$0x6450]  }
0x4f: {  	v1 =	vadd.f32 v4, v1  }
0x50: {  	v4 =	vld [tilespmem:s0+$0x6460]  }
0x51: {  	v1 =	vadd.f32 v3, v1  }
0x52: {  	v3 =	vld [tilespmem:s0+$0x6470]  }
0x53: {  	v1 =	vadd.f32 v2, v1;
	_ =	sdelay $0x1  }
0x54: {  	v1 =	vadd.f32 v4, v1;
	_ =	sdelay $0x1  }
0x55: {  	v1 =	vadd.f32 v3, v1;
	_ =	sdelay $0x1  }
0x56: {  	[tilespmem:$0x16400] =	vst v1  }
0x57: {  	s6 =	sshll.u32 s22, $0x9;
	_ =	swait.ge [sflag:s25], $0x4000  }
0x58: {  	s0 =	sand.u32 $0x3FFFFE00, s6;
	[sflag:s25] =	ssyncset.done $0x0  }
0x59: {  	s10 =	sadd.s32 $0x200, s0;
	[sflag:s25] =	ssyncadd.s32 $0xFFFFC000  }
0x5a: {  	[tilespmem:s18], [sflag:$0x1] =	stream.indirect.gather [hbm4b:s5+s17], $0x80, s10, s17, $0xb8;
	[tilespmem:$0x16480] =	vst v63  }
0x5b: {  	s11 =	sadd.s32 s6, s7;
	_ =	swait.ge [sflag:s26], $0x4000  }
0x5c: {  	s10 =	sshll.u32 s11, $0x4;
	[sflag:s26] =	ssyncset.done $0x0  }
0x5d: {  	s11 =	simm.s32 $0x0;
	s10 =	sadd.s32 s2, s10;
	[sflag:s26] =	ssyncadd.s32 $0xFFFFC000  }
0x5e: {  	[hbm4b:s10+s11] =	stream.linear.scatter [tilespmem:s19], [sflag:$0x6], $0x4000, $0x38;
	[tilespmem:$0x16480] =	vst v63  }
0x5f: {  	s11 =	simm.s32 $0x0;
	v1 =	vld [tilespmem:$0x16400]  }
0x60: {  	v2 =	vld [tilespmem:s11+$0xA400];
	_ =	sdelay $0x1  }
0x61: {  	v3 =	vld [tilespmem:s11+$0xA410];
	_ =	sdelay $0x1  }
0x62: {  	v4 =	vld [tilespmem:s11+$0xA420]  }
0x63: {  	v1 =	vadd.f32 v2, v1  }
0x64: {  	v2 =	vld [tilespmem:s11+$0xA430]  }
0x65: {  	v1 =	vadd.f32 v3, v1  }
0x66: {  	v3 =	vld [tilespmem:s11+$0xA440]  }
0x67: {  	v1 =	vadd.f32 v4, v1  }
0x68: {  	v4 =	vld [tilespmem:s11+$0xA450]  }
0x69: {  	v1 =	vadd.f32 v2, v1  }
0x6a: {  	v2 =	vld [tilespmem:s11+$0xA460]  }
0x6b: {  	v3 =	vadd.f32 v3, v1  }
0x6c: {  	v1 =	vld [tilespmem:s11+$0xA470]  }
0x6d: {  	s10 =	simm.s32 $0x80;
	s11 =	simm.s32 $0x400;
	v3 =	vadd.f32 v4, v3  }
.LBB2_5:
0x6e: {  	p0 =	sne.s32 s11, $0xFE00;
	v4 =	vld [tilespmem:s10+$0xA400]  }
0x6f: {  	v2 =	vadd.f32 v2, v3  }
0x70: {  	v3 =	vld [tilespmem:s10+$0xA410]  }
0x71: {  	v1 =	vadd.f32 v1, v2  }
0x72: {  	v2 =	vld [tilespmem:s10+$0xA420]  }
0x73: {  	v1 =	vadd.f32 v4, v1  }
0x74: {  	v4 =	vld [tilespmem:s10+$0xA430]  }
0x75: {  	v1 =	vadd.f32 v3, v1  }
0x76: {  	v3 =	vld [tilespmem:s10+$0xA440]  }
0x77: {  	v1 =	vadd.f32 v2, v1  }
0x78: {  	v5 =	vld [tilespmem:s10+$0xA450]  }
.Ltmp1:
0x79: {  	v1 =	vadd.f32 v4, v1;
	(pc) =	sbr.rel @p0 .LBB2_5-.Ltmp1, $4  }
0x7a: {  	v2 =	vld [tilespmem:s10+$0xA460]  }
0x7b: {  	v3 =	vadd.f32 v3, v1  }
0x7c: {  	v1 =	vld [tilespmem:s10+$0xA470]  }
0x7d: {  	s10 =	sshra.s32 s11, $0x2;
	s11 =	sadd.s32 $0x200, s11;
	v3 =	vadd.f32 v5, v3  }
0x7e: {  	v4 =	vld [tilespmem:s10+$0xA400]  }
0x7f: {  	v2 =	vadd.f32 v2, v3  }
0x80: {  	v3 =	vld [tilespmem:s10+$0xA410]  }
0x81: {  	v1 =	vadd.f32 v1, v2  }
0x82: {  	v2 =	vld [tilespmem:s10+$0xA420]  }
0x83: {  	v1 =	vadd.f32 v4, v1  }
0x84: {  	v4 =	vld [tilespmem:s10+$0xA430]  }
0x85: {  	v1 =	vadd.f32 v3, v1  }
0x86: {  	v3 =	vld [tilespmem:s10+$0xA440]  }
0x87: {  	v1 =	vadd.f32 v2, v1  }
0x88: {  	v2 =	vld [tilespmem:s10+$0xA450]  }
0x89: {  	v1 =	vadd.f32 v4, v1  }
0x8a: {  	v4 =	vld [tilespmem:s10+$0xA460]  }
0x8b: {  	v1 =	vadd.f32 v3, v1  }
0x8c: {  	v3 =	vld [tilespmem:s10+$0xA470]  }
0x8d: {  	v1 =	vadd.f32 v2, v1;
	_ =	sdelay $0x1  }
0x8e: {  	v1 =	vadd.f32 v4, v1;
	_ =	sdelay $0x1  }
0x8f: {  	v1 =	vadd.f32 v3, v1;
	_ =	sdelay $0x1  }
0x90: {  	[tilespmem:$0x16400] =	vst v1  }
0x91: {  	_ =	swait.ge [sflag:s28], $0x4000  }
0x92: {  	[sflag:s28] =	ssyncset.done $0x0  }
0x93: {  	s11 =	sadd.s32 $0x280, s0;
	[sflag:s28] =	ssyncadd.s32 $0xFFFFC000  }
0x94: {  	[tilespmem:s19], [sflag:$0x2] =	stream.indirect.gather [hbm4b:s5+s17], $0x80, s11, s17, $0xb8;
	[tilespmem:$0x16480] =	vst v63  }
0x95: {  	s11 =	sadd.s32 s6, s8;
	_ =	swait.ge [sflag:s29], $0x4000  }
0x96: {  	s10 =	sshll.u32 s11, $0x4;
	[sflag:s29] =	ssyncset.done $0x0  }
0x97: {  	s11 =	simm.s32 $0x0;
	s10 =	sadd.s32 s2, s10;
	[sflag:s29] =	ssyncadd.s32 $0xFFFFC000  }
0x98: {  	[hbm4b:s10+s11] =	stream.linear.scatter [tilespmem:s21], [sflag:$0x7], $0x4000, $0x38;
	[tilespmem:$0x16480] =	vst v63  }
0x99: {  	s11 =	simm.s32 $0x0;
	v1 =	vld [tilespmem:$0x16400]  }
0x9a: {  	v2 =	vld [tilespmem:s11+$0xE400];
	_ =	sdelay $0x1  }
0x9b: {  	v3 =	vld [tilespmem:s11+$0xE410];
	_ =	sdelay $0x1  }
0x9c: {  	v4 =	vld [tilespmem:s11+$0xE420]  }
0x9d: {  	v1 =	vadd.f32 v2, v1  }
0x9e: {  	v2 =	vld [tilespmem:s11+$0xE430]  }
0x9f: {  	v1 =	vadd.f32 v3, v1  }
0xa0: {  	v3 =	vld [tilespmem:s11+$0xE440]  }
0xa1: {  	v1 =	vadd.f32 v4, v1  }
0xa2: {  	v4 =	vld [tilespmem:s11+$0xE450]  }
0xa3: {  	v1 =	vadd.f32 v2, v1  }
0xa4: {  	v2 =	vld [tilespmem:s11+$0xE460]  }
0xa5: {  	v3 =	vadd.f32 v3, v1  }
0xa6: {  	v1 =	vld [tilespmem:s11+$0xE470]  }
0xa7: {  	s10 =	simm.s32 $0x80;
	s11 =	simm.s32 $0x400;
	v3 =	vadd.f32 v4, v3  }
.LBB2_7:
0xa8: {  	p0 =	sne.s32 s11, $0xFE00;
	v4 =	vld [tilespmem:s10+$0xE400]  }
0xa9: {  	v2 =	vadd.f32 v2, v3  }
0xaa: {  	v3 =	vld [tilespmem:s10+$0xE410]  }
0xab: {  	v1 =	vadd.f32 v1, v2  }
0xac: {  	v2 =	vld [tilespmem:s10+$0xE420]  }
0xad: {  	v1 =	vadd.f32 v4, v1  }
0xae: {  	v4 =	vld [tilespmem:s10+$0xE430]  }
0xaf: {  	v1 =	vadd.f32 v3, v1  }
0xb0: {  	v3 =	vld [tilespmem:s10+$0xE440]  }
0xb1: {  	v1 =	vadd.f32 v2, v1  }
0xb2: {  	v5 =	vld [tilespmem:s10+$0xE450]  }
.Ltmp2:
0xb3: {  	v1 =	vadd.f32 v4, v1;
	(pc) =	sbr.rel @p0 .LBB2_7-.Ltmp2, $4  }
0xb4: {  	v2 =	vld [tilespmem:s10+$0xE460]  }
0xb5: {  	v3 =	vadd.f32 v3, v1  }
0xb6: {  	v1 =	vld [tilespmem:s10+$0xE470]  }
0xb7: {  	s10 =	sshra.s32 s11, $0x2;
	s11 =	sadd.s32 $0x200, s11;
	v3 =	vadd.f32 v5, v3  }
0xb8: {  	v4 =	vld [tilespmem:s10+$0xE400]  }
0xb9: {  	v2 =	vadd.f32 v2, v3  }
0xba: {  	v3 =	vld [tilespmem:s10+$0xE410]  }
0xbb: {  	v1 =	vadd.f32 v1, v2  }
0xbc: {  	v2 =	vld [tilespmem:s10+$0xE420]  }
0xbd: {  	v1 =	vadd.f32 v4, v1  }
0xbe: {  	v4 =	vld [tilespmem:s10+$0xE430]  }
0xbf: {  	v1 =	vadd.f32 v3, v1  }
0xc0: {  	v3 =	vld [tilespmem:s10+$0xE440]  }
0xc1: {  	v1 =	vadd.f32 v2, v1  }
0xc2: {  	v2 =	vld [tilespmem:s10+$0xE450]  }
0xc3: {  	v1 =	vadd.f32 v4, v1  }
0xc4: {  	v4 =	vld [tilespmem:s10+$0xE460]  }
0xc5: {  	v1 =	vadd.f32 v3, v1  }
0xc6: {  	v3 =	vld [tilespmem:s10+$0xE470]  }
0xc7: {  	v1 =	vadd.f32 v2, v1;
	_ =	sdelay $0x1  }
0xc8: {  	v1 =	vadd.f32 v4, v1;
	_ =	sdelay $0x1  }
0xc9: {  	v1 =	vadd.f32 v3, v1;
	_ =	sdelay $0x1  }
0xca: {  	[tilespmem:$0x16400] =	vst v1  }
0xcb: {  	_ =	swait.ge [sflag:s30], $0x4000  }
0xcc: {  	[sflag:s30] =	ssyncset.done $0x0  }
0xcd: {  	s11 =	sadd.s32 $0x300, s0;
	[sflag:s30] =	ssyncadd.s32 $0xFFFFC000  }
0xce: {  	[tilespmem:s21], [sflag:$0x3] =	stream.indirect.gather [hbm4b:s5+s17], $0x80, s11, s17, $0xb8;
	[tilespmem:$0x16480] =	vst v63  }
0xcf: {  	s6 =	sadd.s32 s6, s9;
	_ =	swait.ge [sflag:s31], $0x4000  }
0xd0: {  	s6 =	sshll.u32 s6, $0x4;
	[sflag:s31] =	ssyncset.done $0x0  }
0xd1: {  	s6 =	sadd.s32 s2, s6;
	s11 =	simm.s32 $0x0;
	[sflag:s31] =	ssyncadd.s32 $0xFFFFC000  }
0xd2: {  	[hbm4b:s6+s11] =	stream.linear.scatter [tilespmem:s23], [sflag:$0x8], $0x4000, $0x38;
	[tilespmem:$0x16480] =	vst v63  }
0xd3: {  	s11 =	simm.s32 $0x0;
	v1 =	vld [tilespmem:$0x16400]  }
0xd4: {  	v2 =	vld [tilespmem:s11+$0x12400];
	_ =	sdelay $0x1  }
0xd5: {  	v3 =	vld [tilespmem:s11+$0x12410];
	_ =	sdelay $0x1  }
0xd6: {  	v4 =	vld [tilespmem:s11+$0x12420]  }
0xd7: {  	v1 =	vadd.f32 v2, v1  }
0xd8: {  	v2 =	vld [tilespmem:s11+$0x12430]  }
0xd9: {  	v1 =	vadd.f32 v3, v1  }
0xda: {  	v3 =	vld [tilespmem:s11+$0x12440]  }
0xdb: {  	v1 =	vadd.f32 v4, v1  }
0xdc: {  	v4 =	vld [tilespmem:s11+$0x12450]  }
0xdd: {  	v1 =	vadd.f32 v2, v1  }
0xde: {  	v2 =	vld [tilespmem:s11+$0x12460]  }
0xdf: {  	v3 =	vadd.f32 v3, v1  }
0xe0: {  	v1 =	vld [tilespmem:s11+$0x12470]  }
0xe1: {  	s10 =	simm.s32 $0x400;
	s6 =	simm.s32 $0x80;
	v3 =	vadd.f32 v4, v3  }
.LBB2_9:
0xe2: {  	p0 =	sne.s32 s10, $0xFE00;
	v4 =	vld [tilespmem:s6+$0x12400]  }
0xe3: {  	v2 =	vadd.f32 v2, v3  }
0xe4: {  	v3 =	vld [tilespmem:s6+$0x12410]  }
0xe5: {  	v1 =	vadd.f32 v1, v2  }
0xe6: {  	v2 =	vld [tilespmem:s6+$0x12420]  }
0xe7: {  	v1 =	vadd.f32 v4, v1  }
0xe8: {  	v4 =	vld [tilespmem:s6+$0x12430]  }
0xe9: {  	v1 =	vadd.f32 v3, v1  }
0xea: {  	v3 =	vld [tilespmem:s6+$0x12440]  }
0xeb: {  	v1 =	vadd.f32 v2, v1  }
0xec: {  	v5 =	vld [tilespmem:s6+$0x12450]  }
.Ltmp3:
0xed: {  	v1 =	vadd.f32 v4, v1;
	(pc) =	sbr.rel @p0 .LBB2_9-.Ltmp3, $4  }
0xee: {  	v2 =	vld [tilespmem:s6+$0x12460]  }
0xef: {  	v3 =	vadd.f32 v3, v1  }
0xf0: {  	v1 =	vld [tilespmem:s6+$0x12470]  }
0xf1: {  	s6 =	sshra.s32 s10, $0x2;
	s10 =	sadd.s32 $0x200, s10;
	v3 =	vadd.f32 v5, v3  }
0xf2: {  	v4 =	vld [tilespmem:s6+$0x12400]  }
0xf3: {  	v2 =	vadd.f32 v2, v3  }
0xf4: {  	v3 =	vld [tilespmem:s6+$0x12410]  }
0xf5: {  	v1 =	vadd.f32 v1, v2  }
0xf6: {  	v2 =	vld [tilespmem:s6+$0x12420]  }
0xf7: {  	v1 =	vadd.f32 v4, v1  }
0xf8: {  	v62 =	vld [tilespmem:s6+$0x12430]  }
0xf9: {  	v1 =	vadd.f32 v3, v1  }
0xfa: {  	v3 =	vld [tilespmem:s6+$0x12440]  }
0xfb: {  	v1 =	vadd.f32 v2, v1  }
0xfc: {  	v2 =	vld [tilespmem:s6+$0x12450]  }
0xfd: {  	v1 =	vadd.f32 v62, v1  }
0xfe: {  	v63 =	vld [tilespmem:s6+$0x12460]  }
0xff: {  	v1 =	vadd.f32 v3, v1  }
0x100: {  	v3 =	vld [tilespmem:s6+$0x12470]  }
0x101: {  	v1 =	vadd.f32 v2, v1;
	_ =	sdelay $0x1  }
0x102: {  	v1 =	vadd.f32 v63, v1;
	_ =	sdelay $0x1  }
0x103: {  	s22 =	sadd.s32 $0x1, s22;
	v1 =	vadd.f32 v3, v1  }
0x104: {  	p0 =	sne.s32 s22, $0x31  }
.Ltmp4:
0x105: {  	[tilespmem:$0x16400] =	vst v1;
	(pc) =	sbr.rel @p0 .LBB2_2-.Ltmp4, $4  }
0x106: {  	_ =	swait.ge [sflag:s1], $0x4000  }
0x107: {  	[sflag:s1] =	ssyncset.done $0x0  }
0x108: {  	s0 =	sadd.s32 $0x380, s0;
	[sflag:s1] =	ssyncadd.s32 $0xFFFFC000  }
0x109: {  	[tilespmem:s23], [sflag:$0x4] =	stream.indirect.gather [hbm4b:s5+s17], $0x80, s0, s17, $0xb8;
	[tilespmem:$0x16480] =	vst v63  }
0x10a: {  	_ =	swait.ge [sflag:s24], $0x4000  }
0x10b: {  	[sflag:s24] =	ssyncset.done $0x0  }
0x10c: {  	s0 =	simm.s32 $0x0;
	s6 =	rddreg [dreg:$0x4];
	[sflag:s24] =	ssyncadd.s32 $0xFFFFC000  }
0x10d: {  	[hbm4b:s6+s0] =	stream.linear.scatter [tilespmem:s18], [sflag:$0x5], $0x4000, $0x38;
	[tilespmem:$0x16480] =	vst v63  }
0x10e: {  	s22 =	simm.s32 $0x0;
	v1 =	vld [tilespmem:$0x16400]  }
0x10f: {  	v2 =	vld [tilespmem:s22+$0x6400];
	_ =	sdelay $0x1  }
0x110: {  	v3 =	vld [tilespmem:s22+$0x6410];
	_ =	sdelay $0x1  }
0x111: {  	v4 =	vld [tilespmem:s22+$0x6420]  }
0x112: {  	v1 =	vadd.f32 v2, v1  }
0x113: {  	v2 =	vld [tilespmem:s22+$0x6430]  }
0x114: {  	v1 =	vadd.f32 v3, v1  }
0x115: {  	v3 =	vld [tilespmem:s22+$0x6440]  }
0x116: {  	v1 =	vadd.f32 v4, v1  }
0x117: {  	v4 =	vld [tilespmem:s22+$0x6450]  }
0x118: {  	v1 =	vadd.f32 v2, v1  }
0x119: {  	v2 =	vld [tilespmem:s22+$0x6460]  }
0x11a: {  	v3 =	vadd.f32 v3, v1  }
0x11b: {  	v1 =	vld [tilespmem:s22+$0x6470]  }
0x11c: {  	s0 =	simm.s32 $0x80;
	s6 =	simm.s32 $0x400;
	v3 =	vadd.f32 v4, v3  }
.LBB2_12:
0x11d: {  	p0 =	sne.s32 s6, $0xFE00;
	v4 =	vld [tilespmem:s0+$0x6400]  }
0x11e: {  	v2 =	vadd.f32 v2, v3  }
0x11f: {  	v3 =	vld [tilespmem:s0+$0x6410]  }
0x120: {  	v1 =	vadd.f32 v1, v2  }
0x121: {  	v2 =	vld [tilespmem:s0+$0x6420]  }
0x122: {  	v1 =	vadd.f32 v4, v1  }
0x123: {  	v4 =	vld [tilespmem:s0+$0x6430]  }
0x124: {  	v1 =	vadd.f32 v3, v1  }
0x125: {  	v3 =	vld [tilespmem:s0+$0x6440]  }
0x126: {  	v1 =	vadd.f32 v2, v1  }
0x127: {  	v5 =	vld [tilespmem:s0+$0x6450]  }
.Ltmp5:
0x128: {  	v1 =	vadd.f32 v4, v1;
	(pc) =	sbr.rel @p0 .LBB2_12-.Ltmp5, $4  }
0x129: {  	v2 =	vld [tilespmem:s0+$0x6460]  }
0x12a: {  	v3 =	vadd.f32 v3, v1  }
0x12b: {  	v1 =	vld [tilespmem:s0+$0x6470]  }
0x12c: {  	s0 =	sshra.s32 s6, $0x2;
	s6 =	sadd.s32 $0x200, s6;
	v3 =	vadd.f32 v5, v3  }
0x12d: {  	v4 =	vld [tilespmem:s0+$0x6400]  }
0x12e: {  	v2 =	vadd.f32 v2, v3  }
0x12f: {  	v3 =	vld [tilespmem:s0+$0x6410]  }
0x130: {  	v1 =	vadd.f32 v1, v2  }
0x131: {  	v2 =	vld [tilespmem:s0+$0x6420]  }
0x132: {  	v1 =	vadd.f32 v4, v1  }
0x133: {  	v4 =	vld [tilespmem:s0+$0x6430]  }
0x134: {  	v1 =	vadd.f32 v3, v1  }
0x135: {  	v3 =	vld [tilespmem:s0+$0x6440]  }
0x136: {  	v1 =	vadd.f32 v2, v1  }
0x137: {  	v2 =	vld [tilespmem:s0+$0x6450]  }
0x138: {  	v1 =	vadd.f32 v4, v1  }
0x139: {  	v4 =	vld [tilespmem:s0+$0x6460]  }
0x13a: {  	v1 =	vadd.f32 v3, v1  }
0x13b: {  	v3 =	vld [tilespmem:s0+$0x6470]  }
0x13c: {  	v1 =	vadd.f32 v2, v1;
	_ =	sdelay $0x1  }
0x13d: {  	v1 =	vadd.f32 v4, v1;
	_ =	sdelay $0x1  }
0x13e: {  	v1 =	vadd.f32 v3, v1;
	_ =	sdelay $0x1  }
0x13f: {  	[tilespmem:$0x16400] =	vst v1  }
0x140: {  	_ =	swait.ge [sflag:s25], $0x4000  }
0x141: {  	[sflag:s25] =	ssyncset.done $0x0  }
0x142: {  	[sflag:s25] =	ssyncadd.s32 $0xFFFFC000  }
0x143: {  	_ =	swait.ge [sflag:s26], $0x4000  }
0x144: {  	[sflag:s26] =	ssyncset.done $0x0  }
0x145: {  	s11 =	simm.s32 $0x0;
	s6 =	rddreg [dreg:$0x5];
	[sflag:s26] =	ssyncadd.s32 $0xFFFFC000  }
0x146: {  	[hbm4b:s6+s11] =	stream.linear.scatter [tilespmem:s19], [sflag:$0x6], $0x4000, $0x38;
	[tilespmem:$0x16480] =	vst v63  }
0x147: {  	s22 =	simm.s32 $0x0;
	v1 =	vld [tilespmem:$0x16400]  }
0x148: {  	v2 =	vld [tilespmem:s22+$0xA400];
	_ =	sdelay $0x1  }
0x149: {  	v3 =	vld [tilespmem:s22+$0xA410];
	_ =	sdelay $0x1  }
0x14a: {  	v4 =	vld [tilespmem:s22+$0xA420]  }
0x14b: {  	v1 =	vadd.f32 v2, v1  }
0x14c: {  	v2 =	vld [tilespmem:s22+$0xA430]  }
0x14d: {  	v1 =	vadd.f32 v3, v1  }
0x14e: {  	v3 =	vld [tilespmem:s22+$0xA440]  }
0x14f: {  	v1 =	vadd.f32 v4, v1  }
0x150: {  	v4 =	vld [tilespmem:s22+$0xA450]  }
0x151: {  	v1 =	vadd.f32 v2, v1  }
0x152: {  	v2 =	vld [tilespmem:s22+$0xA460]  }
0x153: {  	v3 =	vadd.f32 v3, v1  }
0x154: {  	v1 =	vld [tilespmem:s22+$0xA470]  }
0x155: {  	s0 =	simm.s32 $0x80;
	s6 =	simm.s32 $0x400;
	v3 =	vadd.f32 v4, v3  }
.LBB2_14:
0x156: {  	p0 =	sne.s32 s6, $0xFE00;
	v4 =	vld [tilespmem:s0+$0xA400]  }
0x157: {  	v2 =	vadd.f32 v2, v3  }
0x158: {  	v3 =	vld [tilespmem:s0+$0xA410]  }
0x159: {  	v1 =	vadd.f32 v1, v2  }
0x15a: {  	v2 =	vld [tilespmem:s0+$0xA420]  }
0x15b: {  	v1 =	vadd.f32 v4, v1  }
0x15c: {  	v4 =	vld [tilespmem:s0+$0xA430]  }
0x15d: {  	v1 =	vadd.f32 v3, v1  }
0x15e: {  	v3 =	vld [tilespmem:s0+$0xA440]  }
0x15f: {  	v1 =	vadd.f32 v2, v1  }
0x160: {  	v5 =	vld [tilespmem:s0+$0xA450]  }
.Ltmp6:
0x161: {  	v1 =	vadd.f32 v4, v1;
	(pc) =	sbr.rel @p0 .LBB2_14-.Ltmp6, $4  }
0x162: {  	v2 =	vld [tilespmem:s0+$0xA460]  }
0x163: {  	v3 =	vadd.f32 v3, v1  }
0x164: {  	v1 =	vld [tilespmem:s0+$0xA470]  }
0x165: {  	s0 =	sshra.s32 s6, $0x2;
	s6 =	sadd.s32 $0x200, s6;
	v3 =	vadd.f32 v5, v3  }
0x166: {  	v4 =	vld [tilespmem:s0+$0xA400]  }
0x167: {  	v2 =	vadd.f32 v2, v3  }
0x168: {  	v3 =	vld [tilespmem:s0+$0xA410]  }
0x169: {  	v1 =	vadd.f32 v1, v2  }
0x16a: {  	v2 =	vld [tilespmem:s0+$0xA420]  }
0x16b: {  	v1 =	vadd.f32 v4, v1  }
0x16c: {  	v4 =	vld [tilespmem:s0+$0xA430]  }
0x16d: {  	v1 =	vadd.f32 v3, v1  }
0x16e: {  	v3 =	vld [tilespmem:s0+$0xA440]  }
0x16f: {  	v1 =	vadd.f32 v2, v1  }
0x170: {  	v2 =	vld [tilespmem:s0+$0xA450]  }
0x171: {  	v1 =	vadd.f32 v4, v1  }
0x172: {  	v4 =	vld [tilespmem:s0+$0xA460]  }
0x173: {  	v1 =	vadd.f32 v3, v1  }
0x174: {  	v3 =	vld [tilespmem:s0+$0xA470]  }
0x175: {  	v1 =	vadd.f32 v2, v1;
	_ =	sdelay $0x1  }
0x176: {  	v1 =	vadd.f32 v4, v1;
	_ =	sdelay $0x1  }
0x177: {  	v1 =	vadd.f32 v3, v1;
	_ =	sdelay $0x1  }
0x178: {  	[tilespmem:$0x16400] =	vst v1  }
0x179: {  	_ =	swait.ge [sflag:s28], $0x4000  }
0x17a: {  	[sflag:s28] =	ssyncset.done $0x0  }
0x17b: {  	[sflag:s28] =	ssyncadd.s32 $0xFFFFC000  }
0x17c: {  	_ =	swait.ge [sflag:s29], $0x4000  }
0x17d: {  	[sflag:s29] =	ssyncset.done $0x0  }
0x17e: {  	s11 =	simm.s32 $0x0;
	[sflag:s29] =	ssyncadd.s32 $0xFFFFC000  }
0x17f: {  	[hbm4b:s12+s11] =	stream.linear.scatter [tilespmem:s21], [sflag:$0x7], $0x4000, $0x38;
	[tilespmem:$0x16480] =	vst v63  }
0x180: {  	s22 =	simm.s32 $0x0;
	v1 =	vld [tilespmem:$0x16400]  }
0x181: {  	v2 =	vld [tilespmem:s22+$0xE400];
	_ =	sdelay $0x1  }
0x182: {  	v3 =	vld [tilespmem:s22+$0xE410];
	_ =	sdelay $0x1  }
0x183: {  	v4 =	vld [tilespmem:s22+$0xE420]  }
0x184: {  	v1 =	vadd.f32 v2, v1  }
0x185: {  	v2 =	vld [tilespmem:s22+$0xE430]  }
0x186: {  	v1 =	vadd.f32 v3, v1  }
0x187: {  	v3 =	vld [tilespmem:s22+$0xE440]  }
0x188: {  	v1 =	vadd.f32 v4, v1  }
0x189: {  	v4 =	vld [tilespmem:s22+$0xE450]  }
0x18a: {  	v1 =	vadd.f32 v2, v1  }
0x18b: {  	v2 =	vld [tilespmem:s22+$0xE460]  }
0x18c: {  	v3 =	vadd.f32 v3, v1  }
0x18d: {  	v1 =	vld [tilespmem:s22+$0xE470]  }
0x18e: {  	s6 =	simm.s32 $0x400;
	s0 =	simm.s32 $0x80;
	v3 =	vadd.f32 v4, v3  }
.LBB2_16:
0x18f: {  	p0 =	sne.s32 s6, $0xFE00;
	v4 =	vld [tilespmem:s0+$0xE400]  }
0x190: {  	v2 =	vadd.f32 v2, v3  }
0x191: {  	v3 =	vld [tilespmem:s0+$0xE410]  }
0x192: {  	v1 =	vadd.f32 v1, v2  }
0x193: {  	v2 =	vld [tilespmem:s0+$0xE420]  }
0x194: {  	v1 =	vadd.f32 v4, v1  }
0x195: {  	v4 =	vld [tilespmem:s0+$0xE430]  }
0x196: {  	v1 =	vadd.f32 v3, v1  }
0x197: {  	v3 =	vld [tilespmem:s0+$0xE440]  }
0x198: {  	v1 =	vadd.f32 v2, v1  }
0x199: {  	v5 =	vld [tilespmem:s0+$0xE450]  }
.Ltmp7:
0x19a: {  	v1 =	vadd.f32 v4, v1;
	(pc) =	sbr.rel @p0 .LBB2_16-.Ltmp7, $4  }
0x19b: {  	v2 =	vld [tilespmem:s0+$0xE460]  }
0x19c: {  	v3 =	vadd.f32 v3, v1  }
0x19d: {  	v1 =	vld [tilespmem:s0+$0xE470]  }
0x19e: {  	s0 =	sshra.s32 s6, $0x2;
	s6 =	sadd.s32 $0x200, s6;
	v3 =	vadd.f32 v5, v3  }
0x19f: {  	v4 =	vld [tilespmem:s0+$0xE400]  }
0x1a0: {  	v2 =	vadd.f32 v2, v3  }
0x1a1: {  	v3 =	vld [tilespmem:s0+$0xE410]  }
0x1a2: {  	v1 =	vadd.f32 v1, v2  }
0x1a3: {  	v2 =	vld [tilespmem:s0+$0xE420]  }
0x1a4: {  	v1 =	vadd.f32 v4, v1  }
0x1a5: {  	v4 =	vld [tilespmem:s0+$0xE430]  }
0x1a6: {  	v1 =	vadd.f32 v3, v1  }
0x1a7: {  	v3 =	vld [tilespmem:s0+$0xE440]  }
0x1a8: {  	v1 =	vadd.f32 v2, v1  }
0x1a9: {  	v2 =	vld [tilespmem:s0+$0xE450]  }
0x1aa: {  	v1 =	vadd.f32 v4, v1  }
0x1ab: {  	v4 =	vld [tilespmem:s0+$0xE460]  }
0x1ac: {  	v1 =	vadd.f32 v3, v1  }
0x1ad: {  	v3 =	vld [tilespmem:s0+$0xE470]  }
0x1ae: {  	v1 =	vadd.f32 v2, v1;
	_ =	sdelay $0x1  }
0x1af: {  	v1 =	vadd.f32 v4, v1;
	_ =	sdelay $0x1  }
0x1b0: {  	v1 =	vadd.f32 v3, v1;
	_ =	sdelay $0x1  }
0x1b1: {  	[tilespmem:$0x16400] =	vst v1  }
0x1b2: {  	_ =	swait.ge [sflag:s30], $0x4000  }
0x1b3: {  	[sflag:s30] =	ssyncset.done $0x0  }
0x1b4: {  	[sflag:s30] =	ssyncadd.s32 $0xFFFFC000  }
0x1b5: {  	_ =	swait.ge [sflag:s31], $0x4000  }
0x1b6: {  	[sflag:s31] =	ssyncset.done $0x0  }
0x1b7: {  	s11 =	simm.s32 $0x0;
	[sflag:s31] =	ssyncadd.s32 $0xFFFFC000  }
0x1b8: {  	[hbm4b:s13+s11] =	stream.linear.scatter [tilespmem:s23], [sflag:$0x8], $0x4000, $0x38;
	[tilespmem:$0x16480] =	vst v63  }
0x1b9: {  	s22 =	simm.s32 $0x0;
	v1 =	vld [tilespmem:$0x16400]  }
0x1ba: {  	v2 =	vld [tilespmem:s22+$0x12400];
	_ =	sdelay $0x1  }
0x1bb: {  	v3 =	vld [tilespmem:s22+$0x12410];
	_ =	sdelay $0x1  }
0x1bc: {  	v4 =	vld [tilespmem:s22+$0x12420]  }
0x1bd: {  	v1 =	vadd.f32 v2, v1  }
0x1be: {  	v2 =	vld [tilespmem:s22+$0x12430]  }
0x1bf: {  	v1 =	vadd.f32 v3, v1  }
0x1c0: {  	v3 =	vld [tilespmem:s22+$0x12440]  }
0x1c1: {  	v1 =	vadd.f32 v4, v1  }
0x1c2: {  	v4 =	vld [tilespmem:s22+$0x12450]  }
0x1c3: {  	v1 =	vadd.f32 v2, v1  }
0x1c4: {  	v2 =	vld [tilespmem:s22+$0x12460]  }
0x1c5: {  	v3 =	vadd.f32 v3, v1  }
0x1c6: {  	v1 =	vld [tilespmem:s22+$0x12470]  }
0x1c7: {  	s6 =	simm.s32 $0x400;
	s0 =	simm.s32 $0x80;
	v3 =	vadd.f32 v4, v3  }
.LBB2_18:
0x1c8: {  	p0 =	sne.s32 s6, $0xFE00;
	v4 =	vld [tilespmem:s0+$0x12400]  }
0x1c9: {  	v2 =	vadd.f32 v2, v3  }
0x1ca: {  	v3 =	vld [tilespmem:s0+$0x12410]  }
0x1cb: {  	v1 =	vadd.f32 v1, v2  }
0x1cc: {  	v2 =	vld [tilespmem:s0+$0x12420]  }
0x1cd: {  	v1 =	vadd.f32 v4, v1  }
0x1ce: {  	v4 =	vld [tilespmem:s0+$0x12430]  }
0x1cf: {  	v1 =	vadd.f32 v3, v1  }
0x1d0: {  	v3 =	vld [tilespmem:s0+$0x12440]  }
0x1d1: {  	v1 =	vadd.f32 v2, v1  }
0x1d2: {  	v5 =	vld [tilespmem:s0+$0x12450]  }
.Ltmp8:
0x1d3: {  	v1 =	vadd.f32 v4, v1;
	(pc) =	sbr.rel @p0 .LBB2_18-.Ltmp8, $4  }
0x1d4: {  	v2 =	vld [tilespmem:s0+$0x12460]  }
0x1d5: {  	v3 =	vadd.f32 v3, v1  }
0x1d6: {  	v1 =	vld [tilespmem:s0+$0x12470]  }
0x1d7: {  	s0 =	sshra.s32 s6, $0x2;
	s6 =	sadd.s32 $0x200, s6;
	v3 =	vadd.f32 v5, v3  }
0x1d8: {  	v4 =	vld [tilespmem:s0+$0x12400]  }
0x1d9: {  	v2 =	vadd.f32 v2, v3  }
0x1da: {  	v3 =	vld [tilespmem:s0+$0x12410]  }
0x1db: {  	v1 =	vadd.f32 v1, v2  }
0x1dc: {  	v2 =	vld [tilespmem:s0+$0x12420]  }
0x1dd: {  	v1 =	vadd.f32 v4, v1  }
0x1de: {  	v62 =	vld [tilespmem:s0+$0x12430]  }
0x1df: {  	v1 =	vadd.f32 v3, v1  }
0x1e0: {  	v3 =	vld [tilespmem:s0+$0x12440]  }
0x1e1: {  	v1 =	vadd.f32 v2, v1  }
0x1e2: {  	v2 =	vld [tilespmem:s0+$0x12450]  }
0x1e3: {  	v1 =	vadd.f32 v62, v1  }
0x1e4: {  	v63 =	vld [tilespmem:s0+$0x12460]  }
0x1e5: {  	v1 =	vadd.f32 v3, v1  }
0x1e6: {  	v3 =	vld [tilespmem:s0+$0x12470]  }
0x1e7: {  	v1 =	vadd.f32 v2, v1;
	_ =	sdelay $0x1  }
0x1e8: {  	v1 =	vadd.f32 v63, v1;
	_ =	sdelay $0x1  }
0x1e9: {  	v1 =	vadd.f32 v3, v1;
	_ =	sdelay $0x1  }
0x1ea: {  	[tilespmem:$0x16400] =	vst v1  }
0x1eb: {  	s20 =	sadd.s32 $0x1, s20;
	_ =	swait.ge [sflag:s1], $0x4000  }
0x1ec: {  	p0 =	sne.s32 s20, s15;
	[sflag:s1] =	ssyncset.done $0x0  }
.Ltmp9:
0x1ed: {  	s22 =	simm.s32 $0x16400;
	[sflag:s1] =	ssyncadd.s32 $0xFFFFC000;
	(pc) =	sbr.rel @p0 .LBB2_1-.Ltmp9, $4  }
0x1ee: {  	[hbm4b:s14+s3] =	stream.linear.scatter [tilespmem:s22], [sflag:$0x9], $0x80, $0x38;
	[tilespmem:$0x16480] =	vst v63  }
0x1ef: {  	_ =	swait.ge [sflag:s16], $0x80  }
0x1f0: {  	[sflag:s16] =	ssyncset.done $0x0  }
0x1f1: {  	[sflag:s16] =	ssyncadd.s32 $0xFFFFFF80  }
0x1f2: {  	_ =	sfence.sel $0x180000  }
0x1f3: {  	[bflag:$0x0] =	sbarrier.arrive $0xFFFF  }
0x1f4: {  	_ =	strace $0x90000047  }
0x1f5: {  	s0 =	stileid.u32;
	[bflag:$0x2] =	sbarrier.arrive $0xFFFF  }
0x1f6: {  	p0 =	sne.s32 s0, $0x0;
	s0 =	rddreg [dreg:$0x2]  }
0x1f7: {  	s0 =	sadd.s32 @!p0 $0x100000, s0  }
0x1f8: {  	[sflag:s0] =	ssyncadd.tile.s32 @!p0 $0x1;
	_ =	shalt  }
.Lfunc_end2:
_tile_overlayer_lowered:
.L_overlay_start_2:
0x1f9: {  	(tag) =	ssettag $0x2  }
0x1fa: {  	s0 =	rddreg [dreg:$0x0];
	s2 =	stileid.u32  }
0x1fb: {  	s1 =	rddreg [dreg:$0x1];
	p0 =	sne.s32 s2, $0x0  }
0x1fc: {  	s3 =	rddreg [dreg:$0x2];
	[bflag:$0x3] =	sbarrier.arrive $0xFFFF;
	s2 =	simm.s32 @!p0 $0x1C09  }
0x1fd: {  	[timem:s3], [sflag:s2] =	dma.local @!p0 [hbm:s0], s1  }
0x1fe: {  	s0 =	simm.s32 @!p0 $0x9  }
0x1ff: {  	_ =	swait.ge @!p0 [sflag:s0], s1  }
0x200: {  	s1 =	ssub.s32 @!p0 $0x0, s1;
	[sflag:s0] =	ssyncset.done @!p0 $0x0  }
0x201: {  	[sflag:s0] =	ssyncadd.s32 @!p0 s1  }
0x202: {  	[bflag:$0x3] =	sbarrier.arrive $0xFFFF  }
0x203: {  	_ =	shalt  }

</sc_bundles>
